<compile_context>
chip_gen: v7x
topology: tpu7x:2x2x1
jax: 0.10.2.dev20260603
libtpu: 0.0.44.dev20260713+nightly
codegen_flags: <defaults>
</compile_context>

<pallas_src>
import jax
import jax.numpy as jnp
from jax import lax
from jax.experimental import pallas as pl
from jax.experimental.pallas import tpu as pltpu
from jax.experimental.pallas import tpu_sc as plsc

NUM_RELS = 38
N_NODES = 100000
N_EDGES = 6400000

NC = 2
NS = 16
L = 16
NW = NC * NS

CHUNK = 2560
NCHUNK_TOT = N_EDGES // CHUNK
NCHUNK_W = NCHUNK_TOT // NW
NEXTRA = NCHUNK_TOT - NCHUNK_W * NW
BINS = NUM_RELS * 9
SW_PAD = 512
UNROLL = 10

assert CHUNK % (L * UNROLL) == 0
assert NCHUNK_W % 2 == 0
assert NCHUNK_W * NW + NEXTRA == NCHUNK_TOT


def _body(ei_hbm, et_hbm, nt_hbm, sw_hbm, out_hbm,
          nt_v, sw_v, ei_v0, et_v0, ei_v1, et_v1, acc_v, sem0, sem1):
  bufs = ((ei_v0, et_v0), (ei_v1, et_v1))
  wid = lax.axis_index("s") * NC + lax.axis_index("c")
  c0 = wid * NCHUNK_W

  pltpu.sync_copy(nt_hbm, nt_v)
  pltpu.sync_copy(sw_hbm, sw_v)

  def issue(c, slot, sem):
    base = pl.multiple_of(c * CHUNK, 128)
    eb, tb = bufs[slot]
    pltpu.make_async_copy(ei_hbm.at[:, pl.ds(base, CHUNK)], eb, sem).start()
    pltpu.make_async_copy(et_hbm.at[pl.ds(base, CHUNK)], tb, sem).start()

  def drain(slot, sem):
    eb, tb = bufs[slot]
    pltpu.make_async_copy(ei_hbm.at[:, pl.ds(0, CHUNK)], eb, sem).wait()
    pltpu.make_async_copy(et_hbm.at[pl.ds(0, CHUNK)], tb, sem).wait()

  issue(c0, 0, sem0)
  issue(c0 + 1, 1, sem1)

  def compute(slot, acc):
    eb, tb = bufs[slot]
    def it(i, acc):
      off = pl.multiple_of(i * (L * UNROLL), L)
      accs = list(acc)
      for u in range(UNROLL):
        o = off + u * L
        s = eb[0, pl.ds(o, L)]
        d = eb[1, pl.ds(o, L)]
        t = tb[pl.ds(o, L)]
        ns = plsc.load_gather(nt_v, [s])
        nd = plsc.load_gather(nt_v, [d])
        enc = t * 9 + ns * 3 + nd
        accs[u] = accs[u] + plsc.load_gather(sw_v, [enc])
      return tuple(accs)
    return lax.fori_loop(0, CHUNK // (L * UNROLL), it, acc)

  def gloop(g, acc):
    last = g == (NCHUNK_W // 2 - 1)
    drain(0, sem0)
    acc = compute(0, acc)
    @pl.when(jnp.logical_not(last))
    def _i0():
      issue(c0 + 2 * g + 2, 0, sem0)
    drain(1, sem1)
    acc = compute(1, acc)
    @pl.when(jnp.logical_not(last))
    def _i1():
      issue(c0 + 2 * g + 3, 1, sem1)
    return acc

  zero = jnp.zeros((L,), jnp.float32)
  acc = lax.fori_loop(0, NCHUNK_W // 2, gloop, (zero,) * UNROLL)

  @pl.when(wid < NEXTRA)
  def _ix():
    issue(NCHUNK_W * NW + wid, 0, sem0)

  def extra(acc):
    drain(0, sem0)
    return compute(0, acc)

  acc = lax.cond(wid < NEXTRA, extra, lambda a: a, acc)

  total = acc[0]
  for u in range(1, UNROLL):
    total = total + acc[u]
  acc_v[...] = total
  pltpu.sync_copy(acc_v, out_hbm.at[wid])


@jax.jit
def _run(ei, et, nt, sw_pad):
  mesh = plsc.VectorSubcoreMesh(core_axis_name="c", subcore_axis_name="s")
  partials = pl.kernel(
      _body,
      out_type=jax.ShapeDtypeStruct((NW, L), jnp.float32),
      mesh=mesh,
      compiler_params=pltpu.CompilerParams(needs_layout_passes=False),
      scratch_types=[
          pltpu.VMEM((N_NODES,), jnp.int32),
          pltpu.VMEM((SW_PAD,), jnp.float32),
          pltpu.VMEM((2, CHUNK), jnp.int32),
          pltpu.VMEM((CHUNK,), jnp.int32),
          pltpu.VMEM((2, CHUNK), jnp.int32),
          pltpu.VMEM((CHUNK,), jnp.int32),
          pltpu.VMEM((L,), jnp.float32),
          pltpu.SemaphoreType.DMA,
          pltpu.SemaphoreType.DMA,
      ],
  )(ei, et, nt, sw_pad)
  return partials.sum()


def kernel(node_type, edge_type, edge_index, text, scorer_weight):
  sw = jnp.zeros((SW_PAD,), jnp.float32).at[:BINS].set(
      scorer_weight.reshape(-1))
  return _run(edge_index, edge_type, node_type, sw)

# --- scband reference (transcript-rebuilt; emitter-appended) ---
"""Pipeline reference for scband-graph-hard-counter-45286135169614 (READ-ONLY COPY).

The authoritative reference and input builder live on the scoring server;
editing this copy changes nothing except your own understanding.
"""

import jax, jax.numpy as jnp
import numpy as np

NUM_RELS = 38
N_NODES = 100000
N_EDGES = 6400000

def setup_inputs(seed: int = 0) -> dict:
    key = jax.random.key(seed)
    ks = jax.random.split(key, 5)
    node_type = jax.random.randint(ks[0], (N_NODES,), 0, 3, dtype=jnp.int32)
    edge_type = jax.random.randint(ks[1], (N_EDGES,), 0, NUM_RELS, dtype=jnp.int32)
    edge_index = jax.random.randint(ks[2], (2, N_EDGES), 0, N_NODES, dtype=jnp.int32)
    text = jax.random.randint(ks[3], (4, 128), 0, 30000, dtype=jnp.int32)
    scorer_weight = jax.random.normal(ks[4], (NUM_RELS * 3 * 3, 1), dtype=jnp.float32) * 0.02
    return {"node_type": node_type, "edge_type": edge_type, "edge_index": edge_index, "text": text, "scorer_weight": scorer_weight}

def reference(node_type, edge_type, edge_index, text, scorer_weight):
    # edge_enc[i] = edge_type[i]*9 + node_type[src_i]*3 + node_type[dst_i]
    src = edge_index[0]
    dst = edge_index[1]
    nt_src = jnp.take(node_type, src, axis=0)
    nt_dst = jnp.take(node_type, dst, axis=0)
    edge_enc = edge_type * 3 * 3 + nt_src * 3 + nt_dst
    edge_scores = jnp.take(scorer_weight, edge_enc, axis=0)  # [E, 1] embedding lookup
    return edge_scores.sum()

if __name__ == "__main__":
    import jax
    _d = setup_inputs()
    print(jax.jit(kernel)(*tuple(_d.values())))

</pallas_src>

<mosaic_0001>
#map = affine_map<(d0, d1) -> (0, 0)>
#map1 = affine_map<(d0, d1) -> (0)>
module attributes {stable_mosaic.version = 14 : i64} {
  func.func @_body(%arg0: i32, %arg1: i32, %arg2: memref<2x6400000xi32, #tpu.memory_space<hbm>>, %arg3: memref<6400000xi32, #tpu.memory_space<hbm>>, %arg4: memref<100000xi32, #tpu.memory_space<hbm>>, %arg5: memref<512xf32, #tpu.memory_space<hbm>>, %arg6: memref<32x16xf32, #tpu.memory_space<hbm>>, %arg7: memref<100000xi32, #tpu.memory_space<vmem>>, %arg8: memref<512xf32, #tpu.memory_space<vmem>>, %arg9: memref<2x2560xi32, #tpu.memory_space<vmem>>, %arg10: memref<2560xi32, #tpu.memory_space<vmem>>, %arg11: memref<2x2560xi32, #tpu.memory_space<vmem>>, %arg12: memref<2560xi32, #tpu.memory_space<vmem>>, %arg13: memref<16xf32, #tpu.memory_space<vmem>>, %arg14: memref<!tpu.dma_semaphore, #tpu.memory_space<semaphore_mem>>, %arg15: memref<!tpu.dma_semaphore, #tpu.memory_space<semaphore_mem>>) attributes {dimension_semantics = [#tpu.dimension_semantics<core_parallel>, #tpu.dimension_semantics<subcore_parallel>], iteration_bounds = array<i64: 2, 16>, scalar_prefetch = 0 : i64, scratch_operands = 9 : i64, tpu.core_type = #tpu.core_type<sc_vector_subcore>, window_params = [{transform_indices = #map}, {transform_indices = #map1}, {transform_indices = #map1}, {transform_indices = #map1}, {transform_indices = #map}]} {
    %mul3A = arith.constant 2 : i32
    %mul3A_0 = arith.muli %arg1, %mul3A : i32
    %add3A = arith.addi %mul3A_0, %arg0 : i32
    %mul3A_1 = arith.constant 78 : i32
    %mul3A_2 = arith.muli %add3A, %mul3A_1 : i32
    "tpu.region"() ({
      %run_scoped3A = tpu.sem_alloc : memref<!tpu.dma_semaphore, #tpu.memory_space<semaphore_mem>>
      tpu.enqueue_dma source(%arg4 : memref<100000xi32, #tpu.memory_space<hbm>>) target(%arg7 : memref<100000xi32, #tpu.memory_space<vmem>>) target_semaphore(%run_scoped3A : memref<!tpu.dma_semaphore, #tpu.memory_space<semaphore_mem>>)
      tpu.wait_dma2 semaphore(%run_scoped3A : memref<!tpu.dma_semaphore, #tpu.memory_space<semaphore_mem>>) src(%arg4 : memref<100000xi32, #tpu.memory_space<hbm>>) dst(%arg7 : memref<100000xi32, #tpu.memory_space<vmem>>)
      tpu.yield
    }) : () -> ()
    "tpu.region"() ({
      %run_scoped3A = tpu.sem_alloc : memref<!tpu.dma_semaphore, #tpu.memory_space<semaphore_mem>>
      tpu.enqueue_dma source(%arg5 : memref<512xf32, #tpu.memory_space<hbm>>) target(%arg8 : memref<512xf32, #tpu.memory_space<vmem>>) target_semaphore(%run_scoped3A : memref<!tpu.dma_semaphore, #tpu.memory_space<semaphore_mem>>)
      tpu.wait_dma2 semaphore(%run_scoped3A : memref<!tpu.dma_semaphore, #tpu.memory_space<semaphore_mem>>) src(%arg5 : memref<512xf32, #tpu.memory_space<hbm>>) dst(%arg8 : memref<512xf32, #tpu.memory_space<vmem>>)
      tpu.yield
    }) : () -> ()
    %mul3A_3 = arith.constant 2560 : i32
    %mul3A_4 = arith.muli %mul3A_2, %mul3A_3 : i32
    %multiple_of3A = tpu.assume_multiple %mul3A_4, 128 : i32
    %dma_start3A = arith.constant 0 : i32
    %dma_start3A_5 = tpu.memref_slice %arg2[%dma_start3A, %multiple_of3A] : memref<2x6400000xi32, #tpu.memory_space<hbm>> -> memref<2x2560xi32, #tpu.memory_space<hbm>>
    %dma_start3A_6 = arith.constant 0 : i32
    %dma_start3A_7 = tpu.memref_slice %arg2[%dma_start3A_6, %multiple_of3A] : memref<2x6400000xi32, #tpu.memory_space<hbm>> -> memref<2x2560xi32, #tpu.memory_space<hbm>>
    tpu.enqueue_dma source(%dma_start3A_7 : memref<2x2560xi32, #tpu.memory_space<hbm>>) target(%arg9 : memref<2x2560xi32, #tpu.memory_space<vmem>>) target_semaphore(%arg14 : memref<!tpu.dma_semaphore, #tpu.memory_space<semaphore_mem>>)
    %dma_start3A_8 = tpu.memref_slice %arg3[%multiple_of3A] : memref<6400000xi32, #tpu.memory_space<hbm>> -> memref<2560xi32, #tpu.memory_space<hbm>>
    %dma_start3A_9 = tpu.memref_slice %arg3[%multiple_of3A] : memref<6400000xi32, #tpu.memory_space<hbm>> -> memref<2560xi32, #tpu.memory_space<hbm>>
    tpu.enqueue_dma source(%dma_start3A_9 : memref<2560xi32, #tpu.memory_space<hbm>>) target(%arg10 : memref<2560xi32, #tpu.memory_space<vmem>>) target_semaphore(%arg14 : memref<!tpu.dma_semaphore, #tpu.memory_space<semaphore_mem>>)
    %add3A_10 = arith.constant 1 : i32
    %add3A_11 = arith.addi %mul3A_2, %add3A_10 : i32
    %mul3A_12 = arith.constant 2560 : i32
    %mul3A_13 = arith.muli %add3A_11, %mul3A_12 : i32
    %multiple_of3A_14 = tpu.assume_multiple %mul3A_13, 128 : i32
    %dma_start3A_15 = arith.constant 0 : i32
    %dma_start3A_16 = tpu.memref_slice %arg2[%dma_start3A_15, %multiple_of3A_14] : memref<2x6400000xi32, #tpu.memory_space<hbm>> -> memref<2x2560xi32, #tpu.memory_space<hbm>>
    %dma_start3A_17 = arith.constant 0 : i32
    %dma_start3A_18 = tpu.memref_slice %arg2[%dma_start3A_17, %multiple_of3A_14] : memref<2x6400000xi32, #tpu.memory_space<hbm>> -> memref<2x2560xi32, #tpu.memory_space<hbm>>
    tpu.enqueue_dma source(%dma_start3A_18 : memref<2x2560xi32, #tpu.memory_space<hbm>>) target(%arg11 : memref<2x2560xi32, #tpu.memory_space<vmem>>) target_semaphore(%arg15 : memref<!tpu.dma_semaphore, #tpu.memory_space<semaphore_mem>>)
    %dma_start3A_19 = tpu.memref_slice %arg3[%multiple_of3A_14] : memref<6400000xi32, #tpu.memory_space<hbm>> -> memref<2560xi32, #tpu.memory_space<hbm>>
    %dma_start3A_20 = tpu.memref_slice %arg3[%multiple_of3A_14] : memref<6400000xi32, #tpu.memory_space<hbm>> -> memref<2560xi32, #tpu.memory_space<hbm>>
    tpu.enqueue_dma source(%dma_start3A_20 : memref<2560xi32, #tpu.memory_space<hbm>>) target(%arg12 : memref<2560xi32, #tpu.memory_space<vmem>>) target_semaphore(%arg15 : memref<!tpu.dma_semaphore, #tpu.memory_space<semaphore_mem>>)
    %broadcast_in_dim3A = arith.constant 0.000000e+00 : f32
    %broadcast_in_dim3A_21 = vector.broadcast %broadcast_in_dim3A : f32 to vector<16xf32>
    %scan3A = arith.constant 0 : i32
    %scan3A_22 = arith.constant 39 : i32
    %scan3A_23 = arith.addi %scan3A, %scan3A_22 : i32
    %scan3A_24 = arith.constant 1 : i32
    %scan3A_25:10 = scf.for %scan3A_45 = %scan3A to %scan3A_23 step %scan3A_24 iter_args(%scan3A_46 = %broadcast_in_dim3A_21, %scan3A_47 = %broadcast_in_dim3A_21, %scan3A_48 = %broadcast_in_dim3A_21, %scan3A_49 = %broadcast_in_dim3A_21, %scan3A_50 = %broadcast_in_dim3A_21, %scan3A_51 = %broadcast_in_dim3A_21, %scan3A_52 = %broadcast_in_dim3A_21, %scan3A_53 = %broadcast_in_dim3A_21, %scan3A_54 = %broadcast_in_dim3A_21, %scan3A_55 = %broadcast_in_dim3A_21) -> (vector<16xf32>, vector<16xf32>, vector<16xf32>, vector<16xf32>, vector<16xf32>, vector<16xf32>, vector<16xf32>, vector<16xf32>, vector<16xf32>, vector<16xf32>)  : i32 {
      %eq3A = arith.constant 38 : i32
      %eq3A_56 = arith.cmpi eq, %scan3A_45, %eq3A : i32
      %dma_wait3A = arith.constant 0 : i32
      %dma_wait3A_57 = arith.constant 0 : i32
      %dma_wait3A_58 = tpu.memref_slice %arg2[%dma_wait3A, %dma_wait3A_57] : memref<2x6400000xi32, #tpu.memory_space<hbm>> -> memref<2x2560xi32, #tpu.memory_space<hbm>>
      %dma_wait3A_59 = arith.constant 0 : i32
      %dma_wait3A_60 = arith.constant 0 : i32
      %dma_wait3A_61 = tpu.memref_slice %arg2[%dma_wait3A_59, %dma_wait3A_60] : memref<2x6400000xi32, #tpu.memory_space<hbm>> -> memref<2x2560xi32, #tpu.memory_space<hbm>>
      tpu.wait_dma2 semaphore(%arg14 : memref<!tpu.dma_semaphore, #tpu.memory_space<semaphore_mem>>) src(%dma_wait3A_61 : memref<2x2560xi32, #tpu.memory_space<hbm>>) dst(%arg9 : memref<2x2560xi32, #tpu.memory_space<vmem>>)
      %dma_wait3A_62 = arith.constant 0 : i32
      %dma_wait3A_63 = tpu.memref_slice %arg3[%dma_wait3A_62] : memref<6400000xi32, #tpu.memory_space<hbm>> -> memref<2560xi32, #tpu.memory_space<hbm>>
      %dma_wait3A_64 = arith.constant 0 : i32
      %dma_wait3A_65 = tpu.memref_slice %arg3[%dma_wait3A_64] : memref<6400000xi32, #tpu.memory_space<hbm>> -> memref<2560xi32, #tpu.memory_space<hbm>>
      tpu.wait_dma2 semaphore(%arg14 : memref<!tpu.dma_semaphore, #tpu.memory_space<semaphore_mem>>) src(%dma_wait3A_65 : memref<2560xi32, #tpu.memory_space<hbm>>) dst(%arg10 : memref<2560xi32, #tpu.memory_space<vmem>>)
      %scan3A_66 = arith.constant 0 : i32
      %scan3A_67 = arith.constant 16 : i32
      %scan3A_68 = arith.addi %scan3A_66, %scan3A_67 : i32
      %scan3A_69 = arith.constant 1 : i32
      %scan3A_70:10 = scf.for %scan3A_97 = %scan3A_66 to %scan3A_68 step %scan3A_69 iter_args(%scan3A_98 = %scan3A_46, %scan3A_99 = %scan3A_47, %scan3A_100 = %scan3A_48, %scan3A_101 = %scan3A_49, %scan3A_102 = %scan3A_50, %scan3A_103 = %scan3A_51, %scan3A_104 = %scan3A_52, %scan3A_105 = %scan3A_53, %scan3A_106 = %scan3A_54, %scan3A_107 = %scan3A_55) -> (vector<16xf32>, vector<16xf32>, vector<16xf32>, vector<16xf32>, vector<16xf32>, vector<16xf32>, vector<16xf32>, vector<16xf32>, vector<16xf32>, vector<16xf32>)  : i32 {
        %mul3A_108 = arith.constant 160 : i32
        %mul3A_109 = arith.muli %scan3A_97, %mul3A_108 : i32
        %multiple_of3A_110 = tpu.assume_multiple %mul3A_109, 16 : i32
        %add3A_111 = arith.constant 0 : i32
        %add3A_112 = arith.addi %multiple_of3A_110, %add3A_111 : i32
        %get3A = arith.constant 0 : i32
        %get3A_113 = arith.index_cast %get3A : i32 to index
        %get3A_114 = arith.index_cast %add3A_112 : i32 to index
        %get3A_115 = tpu.vector_load %arg9[%get3A_113, %get3A_114] {strides = array<i32>} : memref<2x2560xi32, #tpu.memory_space<vmem>>, vector<16xi32>,
        %get3A_116 = arith.constant 1 : i32
        %get3A_117 = arith.index_cast %get3A_116 : i32 to index
        %get3A_118 = arith.index_cast %add3A_112 : i32 to index
        %get3A_119 = tpu.vector_load %arg9[%get3A_117, %get3A_118] {strides = array<i32>} : memref<2x2560xi32, #tpu.memory_space<vmem>>, vector<16xi32>,
        %get3A_120 = arith.index_cast %add3A_112 : i32 to index
        %get3A_121 = tpu.vector_load %arg10[%get3A_120] {strides = array<i32>} : memref<2560xi32, #tpu.memory_space<vmem>>, vector<16xi32>,
        %gather3A = tpu.vector_load_idx %arg7[%get3A_115] : memref<100000xi32, #tpu.memory_space<vmem>>[vector<16xi32>], vector<16xi32>,
        %gather3A_122 = tpu.vector_load_idx %arg7[%get3A_119] : memref<100000xi32, #tpu.memory_space<vmem>>[vector<16xi32>], vector<16xi32>,
        %mul3A_123 = arith.constant 9 : i32
        %mul3A_124 = vector.broadcast %mul3A_123 : i32 to vector<16xi32>
        %mul3A_125 = arith.muli %get3A_121, %mul3A_124 : vector<16xi32>
        %mul3A_126 = arith.constant 3 : i32
        %mul3A_127 = vector.broadcast %mul3A_126 : i32 to vector<16xi32>
        %mul3A_128 = arith.muli %gather3A, %mul3A_127 : vector<16xi32>
        %add3A_129 = arith.addi %mul3A_125, %mul3A_128 : vector<16xi32>
        %add3A_130 = arith.addi %add3A_129, %gather3A_122 : vector<16xi32>
        %gather3A_131 = tpu.vector_load_idx %arg8[%add3A_130] : memref<512xf32, #tpu.memory_space<vmem>>[vector<16xi32>], vector<16xf32>,
        %add3A_132 = arith.addf %scan3A_98, %gather3A_131 : vector<16xf32>
        %add3A_133 = arith.constant 16 : i32
        %add3A_134 = arith.addi %multiple_of3A_110, %add3A_133 : i32
        %get3A_135 = arith.constant 0 : i32
        %get3A_136 = arith.index_cast %get3A_135 : i32 to index
        %get3A_137 = arith.index_cast %add3A_134 : i32 to index
        %get3A_138 = tpu.vector_load %arg9[%get3A_136, %get3A_137] {strides = array<i32>} : memref<2x2560xi32, #tpu.memory_space<vmem>>, vector<16xi32>,
        %get3A_139 = arith.constant 1 : i32
        %get3A_140 = arith.index_cast %get3A_139 : i32 to index
        %get3A_141 = arith.index_cast %add3A_134 : i32 to index
        %get3A_142 = tpu.vector_load %arg9[%get3A_140, %get3A_141] {strides = array<i32>} : memref<2x2560xi32, #tpu.memory_space<vmem>>, vector<16xi32>,
        %get3A_143 = arith.index_cast %add3A_134 : i32 to index
        %get3A_144 = tpu.vector_load %arg10[%get3A_143] {strides = array<i32>} : memref<2560xi32, #tpu.memory_space<vmem>>, vector<16xi32>,
        %gather3A_145 = tpu.vector_load_idx %arg7[%get3A_138] : memref<100000xi32, #tpu.memory_space<vmem>>[vector<16xi32>], vector<16xi32>,
        %gather3A_146 = tpu.vector_load_idx %arg7[%get3A_142] : memref<100000xi32, #tpu.memory_space<vmem>>[vector<16xi32>], vector<16xi32>,
        %mul3A_147 = arith.constant 9 : i32
        %mul3A_148 = vector.broadcast %mul3A_147 : i32 to vector<16xi32>
        %mul3A_149 = arith.muli %get3A_144, %mul3A_148 : vector<16xi32>
        %mul3A_150 = arith.constant 3 : i32
        %mul3A_151 = vector.broadcast %mul3A_150 : i32 to vector<16xi32>
        %mul3A_152 = arith.muli %gather3A_145, %mul3A_151 : vector<16xi32>
        %add3A_153 = arith.addi %mul3A_149, %mul3A_152 : vector<16xi32>
        %add3A_154 = arith.addi %add3A_153, %gather3A_146 : vector<16xi32>
        %gather3A_155 = tpu.vector_load_idx %arg8[%add3A_154] : memref<512xf32, #tpu.memory_space<vmem>>[vector<16xi32>], vector<16xf32>,
        %add3A_156 = arith.addf %scan3A_99, %gather3A_155 : vector<16xf32>
        %add3A_157 = arith.constant 32 : i32
        %add3A_158 = arith.addi %multiple_of3A_110, %add3A_157 : i32
        %get3A_159 = arith.constant 0 : i32
        %get3A_160 = arith.index_cast %get3A_159 : i32 to index
        %get3A_161 = arith.index_cast %add3A_158 : i32 to index
        %get3A_162 = tpu.vector_load %arg9[%get3A_160, %get3A_161] {strides = array<i32>} : memref<2x2560xi32, #tpu.memory_space<vmem>>, vector<16xi32>,
        %get3A_163 = arith.constant 1 : i32
        %get3A_164 = arith.index_cast %get3A_163 : i32 to index
        %get3A_165 = arith.index_cast %add3A_158 : i32 to index
        %get3A_166 = tpu.vector_load %arg9[%get3A_164, %get3A_165] {strides = array<i32>} : memref<2x2560xi32, #tpu.memory_space<vmem>>, vector<16xi32>,
        %get3A_167 = arith.index_cast %add3A_158 : i32 to index
        %get3A_168 = tpu.vector_load %arg10[%get3A_167] {strides = array<i32>} : memref<2560xi32, #tpu.memory_space<vmem>>, vector<16xi32>,
        %gather3A_169 = tpu.vector_load_idx %arg7[%get3A_162] : memref<100000xi32, #tpu.memory_space<vmem>>[vector<16xi32>], vector<16xi32>,
        %gather3A_170 = tpu.vector_load_idx %arg7[%get3A_166] : memref<100000xi32, #tpu.memory_space<vmem>>[vector<16xi32>], vector<16xi32>,
        %mul3A_171 = arith.constant 9 : i32
        %mul3A_172 = vector.broadcast %mul3A_171 : i32 to vector<16xi32>
        %mul3A_173 = arith.muli %get3A_168, %mul3A_172 : vector<16xi32>
        %mul3A_174 = arith.constant 3 : i32
        %mul3A_175 = vector.broadcast %mul3A_174 : i32 to vector<16xi32>
        %mul3A_176 = arith.muli %gather3A_169, %mul3A_175 : vector<16xi32>
        %add3A_177 = arith.addi %mul3A_173, %mul3A_176 : vector<16xi32>
        %add3A_178 = arith.addi %add3A_177, %gather3A_170 : vector<16xi32>
        %gather3A_179 = tpu.vector_load_idx %arg8[%add3A_178] : memref<512xf32, #tpu.memory_space<vmem>>[vector<16xi32>], vector<16xf32>,
        %add3A_180 = arith.addf %scan3A_100, %gather3A_179 : vector<16xf32>
        %add3A_181 = arith.constant 48 : i32
        %add3A_182 = arith.addi %multiple_of3A_110, %add3A_181 : i32
        %get3A_183 = arith.constant 0 : i32
        %get3A_184 = arith.index_cast %get3A_183 : i32 to index
        %get3A_185 = arith.index_cast %add3A_182 : i32 to index
        %get3A_186 = tpu.vector_load %arg9[%get3A_184, %get3A_185] {strides = array<i32>} : memref<2x2560xi32, #tpu.memory_space<vmem>>, vector<16xi32>,
        %get3A_187 = arith.constant 1 : i32
        %get3A_188 = arith.index_cast %get3A_187 : i32 to index
        %get3A_189 = arith.index_cast %add3A_182 : i32 to index
        %get3A_190 = tpu.vector_load %arg9[%get3A_188, %get3A_189] {strides = array<i32>} : memref<2x2560xi32, #tpu.memory_space<vmem>>, vector<16xi32>,
        %get3A_191 = arith.index_cast %add3A_182 : i32 to index
        %get3A_192 = tpu.vector_load %arg10[%get3A_191] {strides = array<i32>} : memref<2560xi32, #tpu.memory_space<vmem>>, vector<16xi32>,
        %gather3A_193 = tpu.vector_load_idx %arg7[%get3A_186] : memref<100000xi32, #tpu.memory_space<vmem>>[vector<16xi32>], vector<16xi32>,
        %gather3A_194 = tpu.vector_load_idx %arg7[%get3A_190] : memref<100000xi32, #tpu.memory_space<vmem>>[vector<16xi32>], vector<16xi32>,
        %mul3A_195 = arith.constant 9 : i32
        %mul3A_196 = vector.broadcast %mul3A_195 : i32 to vector<16xi32>
        %mul3A_197 = arith.muli %get3A_192, %mul3A_196 : vector<16xi32>
        %mul3A_198 = arith.constant 3 : i32
        %mul3A_199 = vector.broadcast %mul3A_198 : i32 to vector<16xi32>
        %mul3A_200 = arith.muli %gather3A_193, %mul3A_199 : vector<16xi32>
        %add3A_201 = arith.addi %mul3A_197, %mul3A_200 : vector<16xi32>
        %add3A_202 = arith.addi %add3A_201, %gather3A_194 : vector<16xi32>
        %gather3A_203 = tpu.vector_load_idx %arg8[%add3A_202] : memref<512xf32, #tpu.memory_space<vmem>>[vector<16xi32>], vector<16xf32>,
        %add3A_204 = arith.addf %scan3A_101, %gather3A_203 : vector<16xf32>
        %add3A_205 = arith.constant 64 : i32
        %add3A_206 = arith.addi %multiple_of3A_110, %add3A_205 : i32
        %get3A_207 = arith.constant 0 : i32
        %get3A_208 = arith.index_cast %get3A_207 : i32 to index
        %get3A_209 = arith.index_cast %add3A_206 : i32 to index
        %get3A_210 = tpu.vector_load %arg9[%get3A_208, %get3A_209] {strides = array<i32>} : memref<2x2560xi32, #tpu.memory_space<vmem>>, vector<16xi32>,
        %get3A_211 = arith.constant 1 : i32
        %get3A_212 = arith.index_cast %get3A_211 : i32 to index
        %get3A_213 = arith.index_cast %add3A_206 : i32 to index
        %get3A_214 = tpu.vector_load %arg9[%get3A_212, %get3A_213] {strides = array<i32>} : memref<2x2560xi32, #tpu.memory_space<vmem>>, vector<16xi32>,
        %get3A_215 = arith.index_cast %add3A_206 : i32 to index
        %get3A_216 = tpu.vector_load %arg10[%get3A_215] {strides = array<i32>} : memref<2560xi32, #tpu.memory_space<vmem>>, vector<16xi32>,
        %gather3A_217 = tpu.vector_load_idx %arg7[%get3A_210] : memref<100000xi32, #tpu.memory_space<vmem>>[vector<16xi32>], vector<16xi32>,
        %gather3A_218 = tpu.vector_load_idx %arg7[%get3A_214] : memref<100000xi32, #tpu.memory_space<vmem>>[vector<16xi32>], vector<16xi32>,
        %mul3A_219 = arith.constant 9 : i32
        %mul3A_220 = vector.broadcast %mul3A_219 : i32 to vector<16xi32>
        %mul3A_221 = arith.muli %get3A_216, %mul3A_220 : vector<16xi32>
        %mul3A_222 = arith.constant 3 : i32
        %mul3A_223 = vector.broadcast %mul3A_222 : i32 to vector<16xi32>
        %mul3A_224 = arith.muli %gather3A_217, %mul3A_223 : vector<16xi32>
        %add3A_225 = arith.addi %mul3A_221, %mul3A_224 : vector<16xi32>
        %add3A_226 = arith.addi %add3A_225, %gather3A_218 : vector<16xi32>
        %gather3A_227 = tpu.vector_load_idx %arg8[%add3A_226] : memref<512xf32, #tpu.memory_space<vmem>>[vector<16xi32>], vector<16xf32>,
        %add3A_228 = arith.addf %scan3A_102, %gather3A_227 : vector<16xf32>
        %add3A_229 = arith.constant 80 : i32
        %add3A_230 = arith.addi %multiple_of3A_110, %add3A_229 : i32
        %get3A_231 = arith.constant 0 : i32
        %get3A_232 = arith.index_cast %get3A_231 : i32 to index
        %get3A_233 = arith.index_cast %add3A_230 : i32 to index
        %get3A_234 = tpu.vector_load %arg9[%get3A_232, %get3A_233] {strides = array<i32>} : memref<2x2560xi32, #tpu.memory_space<vmem>>, vector<16xi32>,
        %get3A_235 = arith.constant 1 : i32
        %get3A_236 = arith.index_cast %get3A_235 : i32 to index
        %get3A_237 = arith.index_cast %add3A_230 : i32 to index
        %get3A_238 = tpu.vector_load %arg9[%get3A_236, %get3A_237] {strides = array<i32>} : memref<2x2560xi32, #tpu.memory_space<vmem>>, vector<16xi32>,
        %get3A_239 = arith.index_cast %add3A_230 : i32 to index
        %get3A_240 = tpu.vector_load %arg10[%get3A_239] {strides = array<i32>} : memref<2560xi32, #tpu.memory_space<vmem>>, vector<16xi32>,
        %gather3A_241 = tpu.vector_load_idx %arg7[%get3A_234] : memref<100000xi32, #tpu.memory_space<vmem>>[vector<16xi32>], vector<16xi32>,
        %gather3A_242 = tpu.vector_load_idx %arg7[%get3A_238] : memref<100000xi32, #tpu.memory_space<vmem>>[vector<16xi32>], vector<16xi32>,
        %mul3A_243 = arith.constant 9 : i32
        %mul3A_244 = vector.broadcast %mul3A_243 : i32 to vector<16xi32>
        %mul3A_245 = arith.muli %get3A_240, %mul3A_244 : vector<16xi32>
        %mul3A_246 = arith.constant 3 : i32
        %mul3A_247 = vector.broadcast %mul3A_246 : i32 to vector<16xi32>
        %mul3A_248 = arith.muli %gather3A_241, %mul3A_247 : vector<16xi32>
        %add3A_249 = arith.addi %mul3A_245, %mul3A_248 : vector<16xi32>
        %add3A_250 = arith.addi %add3A_249, %gather3A_242 : vector<16xi32>
        %gather3A_251 = tpu.vector_load_idx %arg8[%add3A_250] : memref<512xf32, #tpu.memory_space<vmem>>[vector<16xi32>], vector<16xf32>,
        %add3A_252 = arith.addf %scan3A_103, %gather3A_251 : vector<16xf32>
        %add3A_253 = arith.constant 96 : i32
        %add3A_254 = arith.addi %multiple_of3A_110, %add3A_253 : i32
        %get3A_255 = arith.constant 0 : i32
        %get3A_256 = arith.index_cast %get3A_255 : i32 to index
        %get3A_257 = arith.index_cast %add3A_254 : i32 to index
        %get3A_258 = tpu.vector_load %arg9[%get3A_256, %get3A_257] {strides = array<i32>} : memref<2x2560xi32, #tpu.memory_space<vmem>>, vector<16xi32>,
        %get3A_259 = arith.constant 1 : i32
        %get3A_260 = arith.index_cast %get3A_259 : i32 to index
        %get3A_261 = arith.index_cast %add3A_254 : i32 to index
        %get3A_262 = tpu.vector_load %arg9[%get3A_260, %get3A_261] {strides = array<i32>} : memref<2x2560xi32, #tpu.memory_space<vmem>>, vector<16xi32>,
        %get3A_263 = arith.index_cast %add3A_254 : i32 to index
        %get3A_264 = tpu.vector_load %arg10[%get3A_263] {strides = array<i32>} : memref<2560xi32, #tpu.memory_space<vmem>>, vector<16xi32>,
        %gather3A_265 = tpu.vector_load_idx %arg7[%get3A_258] : memref<100000xi32, #tpu.memory_space<vmem>>[vector<16xi32>], vector<16xi32>,
        %gather3A_266 = tpu.vector_load_idx %arg7[%get3A_262] : memref<100000xi32, #tpu.memory_space<vmem>>[vector<16xi32>], vector<16xi32>,
        %mul3A_267 = arith.constant 9 : i32
        %mul3A_268 = vector.broadcast %mul3A_267 : i32 to vector<16xi32>
        %mul3A_269 = arith.muli %get3A_264, %mul3A_268 : vector<16xi32>
        %mul3A_270 = arith.constant 3 : i32
        %mul3A_271 = vector.broadcast %mul3A_270 : i32 to vector<16xi32>
        %mul3A_272 = arith.muli %gather3A_265, %mul3A_271 : vector<16xi32>
        %add3A_273 = arith.addi %mul3A_269, %mul3A_272 : vector<16xi32>
        %add3A_274 = arith.addi %add3A_273, %gather3A_266 : vector<16xi32>
        %gather3A_275 = tpu.vector_load_idx %arg8[%add3A_274] : memref<512xf32, #tpu.memory_space<vmem>>[vector<16xi32>], vector<16xf32>,
        %add3A_276 = arith.addf %scan3A_104, %gather3A_275 : vector<16xf32>
        %add3A_277 = arith.constant 112 : i32
        %add3A_278 = arith.addi %multiple_of3A_110, %add3A_277 : i32
        %get3A_279 = arith.constant 0 : i32
        %get3A_280 = arith.index_cast %get3A_279 : i32 to index
        %get3A_281 = arith.index_cast %add3A_278 : i32 to index
        %get3A_282 = tpu.vector_load %arg9[%get3A_280, %get3A_281] {strides = array<i32>} : memref<2x2560xi32, #tpu.memory_space<vmem>>, vector<16xi32>,
        %get3A_283 = arith.constant 1 : i32
        %get3A_284 = arith.index_cast %get3A_283 : i32 to index
        %get3A_285 = arith.index_cast %add3A_278 : i32 to index
        %get3A_286 = tpu.vector_load %arg9[%get3A_284, %get3A_285] {strides = array<i32>} : memref<2x2560xi32, #tpu.memory_space<vmem>>, vector<16xi32>,
        %get3A_287 = arith.index_cast %add3A_278 : i32 to index
        %get3A_288 = tpu.vector_load %arg10[%get3A_287] {strides = array<i32>} : memref<2560xi32, #tpu.memory_space<vmem>>, vector<16xi32>,
        %gather3A_289 = tpu.vector_load_idx %arg7[%get3A_282] : memref<100000xi32, #tpu.memory_space<vmem>>[vector<16xi32>], vector<16xi32>,
        %gather3A_290 = tpu.vector_load_idx %arg7[%get3A_286] : memref<100000xi32, #tpu.memory_space<vmem>>[vector<16xi32>], vector<16xi32>,
        %mul3A_291 = arith.constant 9 : i32
        %mul3A_292 = vector.broadcast %mul3A_291 : i32 to vector<16xi32>
        %mul3A_293 = arith.muli %get3A_288, %mul3A_292 : vector<16xi32>
        %mul3A_294 = arith.constant 3 : i32
        %mul3A_295 = vector.broadcast %mul3A_294 : i32 to vector<16xi32>
        %mul3A_296 = arith.muli %gather3A_289, %mul3A_295 : vector<16xi32>
        %add3A_297 = arith.addi %mul3A_293, %mul3A_296 : vector<16xi32>
        %add3A_298 = arith.addi %add3A_297, %gather3A_290 : vector<16xi32>
        %gather3A_299 = tpu.vector_load_idx %arg8[%add3A_298] : memref<512xf32, #tpu.memory_space<vmem>>[vector<16xi32>], vector<16xf32>,
        %add3A_300 = arith.addf %scan3A_105, %gather3A_299 : vector<16xf32>
        %add3A_301 = arith.constant 128 : i32
        %add3A_302 = arith.addi %multiple_of3A_110, %add3A_301 : i32
        %get3A_303 = arith.constant 0 : i32
        %get3A_304 = arith.index_cast %get3A_303 : i32 to index
        %get3A_305 = arith.index_cast %add3A_302 : i32 to index
        %get3A_306 = tpu.vector_load %arg9[%get3A_304, %get3A_305] {strides = array<i32>} : memref<2x2560xi32, #tpu.memory_space<vmem>>, vector<16xi32>,
        %get3A_307 = arith.constant 1 : i32
        %get3A_308 = arith.index_cast %get3A_307 : i32 to index
        %get3A_309 = arith.index_cast %add3A_302 : i32 to index
        %get3A_310 = tpu.vector_load %arg9[%get3A_308, %get3A_309] {strides = array<i32>} : memref<2x2560xi32, #tpu.memory_space<vmem>>, vector<16xi32>,
        %get3A_311 = arith.index_cast %add3A_302 : i32 to index
        %get3A_312 = tpu.vector_load %arg10[%get3A_311] {strides = array<i32>} : memref<2560xi32, #tpu.memory_space<vmem>>, vector<16xi32>,
        %gather3A_313 = tpu.vector_load_idx %arg7[%get3A_306] : memref<100000xi32, #tpu.memory_space<vmem>>[vector<16xi32>], vector<16xi32>,
        %gather3A_314 = tpu.vector_load_idx %arg7[%get3A_310] : memref<100000xi32, #tpu.memory_space<vmem>>[vector<16xi32>], vector<16xi32>,
        %mul3A_315 = arith.constant 9 : i32
        %mul3A_316 = vector.broadcast %mul3A_315 : i32 to vector<16xi32>
        %mul3A_317 = arith.muli %get3A_312, %mul3A_316 : vector<16xi32>
        %mul3A_318 = arith.constant 3 : i32
        %mul3A_319 = vector.broadcast %mul3A_318 : i32 to vector<16xi32>
        %mul3A_320 = arith.muli %gather3A_313, %mul3A_319 : vector<16xi32>
        %add3A_321 = arith.addi %mul3A_317, %mul3A_320 : vector<16xi32>
        %add3A_322 = arith.addi %add3A_321, %gather3A_314 : vector<16xi32>
        %gather3A_323 = tpu.vector_load_idx %arg8[%add3A_322] : memref<512xf32, #tpu.memory_space<vmem>>[vector<16xi32>], vector<16xf32>,
        %add3A_324 = arith.addf %scan3A_106, %gather3A_323 : vector<16xf32>
        %add3A_325 = arith.constant 144 : i32
        %add3A_326 = arith.addi %multiple_of3A_110, %add3A_325 : i32
        %get3A_327 = arith.constant 0 : i32
        %get3A_328 = arith.index_cast %get3A_327 : i32 to index
        %get3A_329 = arith.index_cast %add3A_326 : i32 to index
        %get3A_330 = tpu.vector_load %arg9[%get3A_328, %get3A_329] {strides = array<i32>} : memref<2x2560xi32, #tpu.memory_space<vmem>>, vector<16xi32>,
        %get3A_331 = arith.constant 1 : i32
        %get3A_332 = arith.index_cast %get3A_331 : i32 to index
        %get3A_333 = arith.index_cast %add3A_326 : i32 to index
        %get3A_334 = tpu.vector_load %arg9[%get3A_332, %get3A_333] {strides = array<i32>} : memref<2x2560xi32, #tpu.memory_space<vmem>>, vector<16xi32>,
        %get3A_335 = arith.index_cast %add3A_326 : i32 to index
        %get3A_336 = tpu.vector_load %arg10[%get3A_335] {strides = array<i32>} : memref<2560xi32, #tpu.memory_space<vmem>>, vector<16xi32>,
        %gather3A_337 = tpu.vector_load_idx %arg7[%get3A_330] : memref<100000xi32, #tpu.memory_space<vmem>>[vector<16xi32>], vector<16xi32>,
        %gather3A_338 = tpu.vector_load_idx %arg7[%get3A_334] : memref<100000xi32, #tpu.memory_space<vmem>>[vector<16xi32>], vector<16xi32>,
        %mul3A_339 = arith.constant 9 : i32
        %mul3A_340 = vector.broadcast %mul3A_339 : i32 to vector<16xi32>
        %mul3A_341 = arith.muli %get3A_336, %mul3A_340 : vector<16xi32>
        %mul3A_342 = arith.constant 3 : i32
        %mul3A_343 = vector.broadcast %mul3A_342 : i32 to vector<16xi32>
        %mul3A_344 = arith.muli %gather3A_337, %mul3A_343 : vector<16xi32>
        %add3A_345 = arith.addi %mul3A_341, %mul3A_344 : vector<16xi32>
        %add3A_346 = arith.addi %add3A_345, %gather3A_338 : vector<16xi32>
        %gather3A_347 = tpu.vector_load_idx %arg8[%add3A_346] : memref<512xf32, #tpu.memory_space<vmem>>[vector<16xi32>], vector<16xf32>,
        %add3A_348 = arith.addf %scan3A_107, %gather3A_347 : vector<16xf32>
        scf.yield %add3A_132, %add3A_156, %add3A_180, %add3A_204, %add3A_228, %add3A_252, %add3A_276, %add3A_300, %add3A_324, %add3A_348 : vector<16xf32>, vector<16xf32>, vector<16xf32>, vector<16xf32>, vector<16xf32>, vector<16xf32>, vector<16xf32>, vector<16xf32>, vector<16xf32>, vector<16xf32>
      }
      %scan3A_71 = arith.constant 16 : i32
      %not3A = arith.constant true
      %not3A_72 = arith.xori %eq3A_56, %not3A : i1
      %convert_element_type3A_73 = arith.extui %not3A_72 : i1 to i32
      %cond3A_74 = arith.constant 0 : i32
      %cond3A_75 = arith.cmpi ne, %convert_element_type3A_73, %cond3A_74 : i32
      scf.if %cond3A_75 {
        %mul3A_97 = arith.constant 2 : i32
        %mul3A_98 = arith.muli %mul3A_97, %scan3A_45 : i32
        %add3A_99 = arith.addi %mul3A_2, %mul3A_98 : i32
        %add3A_100 = arith.constant 2 : i32
        %add3A_101 = arith.addi %add3A_99, %add3A_100 : i32
        %mul3A_102 = arith.constant 2560 : i32
        %mul3A_103 = arith.muli %add3A_101, %mul3A_102 : i32
        %multiple_of3A_104 = tpu.assume_multiple %mul3A_103, 128 : i32
        %dma_start3A_105 = arith.constant 0 : i32
        %dma_start3A_106 = tpu.memref_slice %arg2[%dma_start3A_105, %multiple_of3A_104] : memref<2x6400000xi32, #tpu.memory_space<hbm>> -> memref<2x2560xi32, #tpu.memory_space<hbm>>
        %dma_start3A_107 = arith.constant 0 : i32
        %dma_start3A_108 = tpu.memref_slice %arg2[%dma_start3A_107, %multiple_of3A_104] : memref<2x6400000xi32, #tpu.memory_space<hbm>> -> memref<2x2560xi32, #tpu.memory_space<hbm>>
        tpu.enqueue_dma source(%dma_start3A_108 : memref<2x2560xi32, #tpu.memory_space<hbm>>) target(%arg9 : memref<2x2560xi32, #tpu.memory_space<vmem>>) target_semaphore(%arg14 : memref<!tpu.dma_semaphore, #tpu.memory_space<semaphore_mem>>)
        %dma_start3A_109 = tpu.memref_slice %arg3[%multiple_of3A_104] : memref<6400000xi32, #tpu.memory_space<hbm>> -> memref<2560xi32, #tpu.memory_space<hbm>>
        %dma_start3A_110 = tpu.memref_slice %arg3[%multiple_of3A_104] : memref<6400000xi32, #tpu.memory_space<hbm>> -> memref<2560xi32, #tpu.memory_space<hbm>>
        tpu.enqueue_dma source(%dma_start3A_110 : memref<2560xi32, #tpu.memory_space<hbm>>) target(%arg10 : memref<2560xi32, #tpu.memory_space<vmem>>) target_semaphore(%arg14 : memref<!tpu.dma_semaphore, #tpu.memory_space<semaphore_mem>>)
      } else {
      }
      %dma_wait3A_76 = arith.constant 0 : i32
      %dma_wait3A_77 = arith.constant 0 : i32
      %dma_wait3A_78 = tpu.memref_slice %arg2[%dma_wait3A_76, %dma_wait3A_77] : memref<2x6400000xi32, #tpu.memory_space<hbm>> -> memref<2x2560xi32, #tpu.memory_space<hbm>>
      %dma_wait3A_79 = arith.constant 0 : i32
      %dma_wait3A_80 = arith.constant 0 : i32
      %dma_wait3A_81 = tpu.memref_slice %arg2[%dma_wait3A_79, %dma_wait3A_80] : memref<2x6400000xi32, #tpu.memory_space<hbm>> -> memref<2x2560xi32, #tpu.memory_space<hbm>>
      tpu.wait_dma2 semaphore(%arg15 : memref<!tpu.dma_semaphore, #tpu.memory_space<semaphore_mem>>) src(%dma_wait3A_81 : memref<2x2560xi32, #tpu.memory_space<hbm>>) dst(%arg11 : memref<2x2560xi32, #tpu.memory_space<vmem>>)
      %dma_wait3A_82 = arith.constant 0 : i32
      %dma_wait3A_83 = tpu.memref_slice %arg3[%dma_wait3A_82] : memref<6400000xi32, #tpu.memory_space<hbm>> -> memref<2560xi32, #tpu.memory_space<hbm>>
      %dma_wait3A_84 = arith.constant 0 : i32
      %dma_wait3A_85 = tpu.memref_slice %arg3[%dma_wait3A_84] : memref<6400000xi32, #tpu.memory_space<hbm>> -> memref<2560xi32, #tpu.memory_space<hbm>>
      tpu.wait_dma2 semaphore(%arg15 : memref<!tpu.dma_semaphore, #tpu.memory_space<semaphore_mem>>) src(%dma_wait3A_85 : memref<2560xi32, #tpu.memory_space<hbm>>) dst(%arg12 : memref<2560xi32, #tpu.memory_space<vmem>>)
      %scan3A_86 = arith.constant 0 : i32
      %scan3A_87 = arith.constant 16 : i32
      %scan3A_88 = arith.addi %scan3A_86, %scan3A_87 : i32
      %scan3A_89 = arith.constant 1 : i32
      %scan3A_90:10 = scf.for %scan3A_97 = %scan3A_86 to %scan3A_88 step %scan3A_89 iter_args(%scan3A_98 = %scan3A_70#0, %scan3A_99 = %scan3A_70#1, %scan3A_100 = %scan3A_70#2, %scan3A_101 = %scan3A_70#3, %scan3A_102 = %scan3A_70#4, %scan3A_103 = %scan3A_70#5, %scan3A_104 = %scan3A_70#6, %scan3A_105 = %scan3A_70#7, %scan3A_106 = %scan3A_70#8, %scan3A_107 = %scan3A_70#9) -> (vector<16xf32>, vector<16xf32>, vector<16xf32>, vector<16xf32>, vector<16xf32>, vector<16xf32>, vector<16xf32>, vector<16xf32>, vector<16xf32>, vector<16xf32>)  : i32 {
        %mul3A_108 = arith.constant 160 : i32
        %mul3A_109 = arith.muli %scan3A_97, %mul3A_108 : i32
        %multiple_of3A_110 = tpu.assume_multiple %mul3A_109, 16 : i32
        %add3A_111 = arith.constant 0 : i32
        %add3A_112 = arith.addi %multiple_of3A_110, %add3A_111 : i32
        %get3A = arith.constant 0 : i32
        %get3A_113 = arith.index_cast %get3A : i32 to index
        %get3A_114 = arith.index_cast %add3A_112 : i32 to index
        %get3A_115 = tpu.vector_load %arg11[%get3A_113, %get3A_114] {strides = array<i32>} : memref<2x2560xi32, #tpu.memory_space<vmem>>, vector<16xi32>,
        %get3A_116 = arith.constant 1 : i32
        %get3A_117 = arith.index_cast %get3A_116 : i32 to index
        %get3A_118 = arith.index_cast %add3A_112 : i32 to index
        %get3A_119 = tpu.vector_load %arg11[%get3A_117, %get3A_118] {strides = array<i32>} : memref<2x2560xi32, #tpu.memory_space<vmem>>, vector<16xi32>,
        %get3A_120 = arith.index_cast %add3A_112 : i32 to index
        %get3A_121 = tpu.vector_load %arg12[%get3A_120] {strides = array<i32>} : memref<2560xi32, #tpu.memory_space<vmem>>, vector<16xi32>,
        %gather3A = tpu.vector_load_idx %arg7[%get3A_115] : memref<100000xi32, #tpu.memory_space<vmem>>[vector<16xi32>], vector<16xi32>,
        %gather3A_122 = tpu.vector_load_idx %arg7[%get3A_119] : memref<100000xi32, #tpu.memory_space<vmem>>[vector<16xi32>], vector<16xi32>,
        %mul3A_123 = arith.constant 9 : i32
        %mul3A_124 = vector.broadcast %mul3A_123 : i32 to vector<16xi32>
        %mul3A_125 = arith.muli %get3A_121, %mul3A_124 : vector<16xi32>
        %mul3A_126 = arith.constant 3 : i32
        %mul3A_127 = vector.broadcast %mul3A_126 : i32 to vector<16xi32>
        %mul3A_128 = arith.muli %gather3A, %mul3A_127 : vector<16xi32>
        %add3A_129 = arith.addi %mul3A_125, %mul3A_128 : vector<16xi32>
        %add3A_130 = arith.addi %add3A_129, %gather3A_122 : vector<16xi32>
        %gather3A_131 = tpu.vector_load_idx %arg8[%add3A_130] : memref<512xf32, #tpu.memory_space<vmem>>[vector<16xi32>], vector<16xf32>,
        %add3A_132 = arith.addf %scan3A_98, %gather3A_131 : vector<16xf32>
        %add3A_133 = arith.constant 16 : i32
        %add3A_134 = arith.addi %multiple_of3A_110, %add3A_133 : i32
        %get3A_135 = arith.constant 0 : i32
        %get3A_136 = arith.index_cast %get3A_135 : i32 to index
        %get3A_137 = arith.index_cast %add3A_134 : i32 to index
        %get3A_138 = tpu.vector_load %arg11[%get3A_136, %get3A_137] {strides = array<i32>} : memref<2x2560xi32, #tpu.memory_space<vmem>>, vector<16xi32>,
        %get3A_139 = arith.constant 1 : i32
        %get3A_140 = arith.index_cast %get3A_139 : i32 to index
        %get3A_141 = arith.index_cast %add3A_134 : i32 to index
        %get3A_142 = tpu.vector_load %arg11[%get3A_140, %get3A_141] {strides = array<i32>} : memref<2x2560xi32, #tpu.memory_space<vmem>>, vector<16xi32>,
        %get3A_143 = arith.index_cast %add3A_134 : i32 to index
        %get3A_144 = tpu.vector_load %arg12[%get3A_143] {strides = array<i32>} : memref<2560xi32, #tpu.memory_space<vmem>>, vector<16xi32>,
        %gather3A_145 = tpu.vector_load_idx %arg7[%get3A_138] : memref<100000xi32, #tpu.memory_space<vmem>>[vector<16xi32>], vector<16xi32>,
        %gather3A_146 = tpu.vector_load_idx %arg7[%get3A_142] : memref<100000xi32, #tpu.memory_space<vmem>>[vector<16xi32>], vector<16xi32>,
        %mul3A_147 = arith.constant 9 : i32
        %mul3A_148 = vector.broadcast %mul3A_147 : i32 to vector<16xi32>
        %mul3A_149 = arith.muli %get3A_144, %mul3A_148 : vector<16xi32>
        %mul3A_150 = arith.constant 3 : i32
        %mul3A_151 = vector.broadcast %mul3A_150 : i32 to vector<16xi32>
        %mul3A_152 = arith.muli %gather3A_145, %mul3A_151 : vector<16xi32>
        %add3A_153 = arith.addi %mul3A_149, %mul3A_152 : vector<16xi32>
        %add3A_154 = arith.addi %add3A_153, %gather3A_146 : vector<16xi32>
        %gather3A_155 = tpu.vector_load_idx %arg8[%add3A_154] : memref<512xf32, #tpu.memory_space<vmem>>[vector<16xi32>], vector<16xf32>,
        %add3A_156 = arith.addf %scan3A_99, %gather3A_155 : vector<16xf32>
        %add3A_157 = arith.constant 32 : i32
        %add3A_158 = arith.addi %multiple_of3A_110, %add3A_157 : i32
        %get3A_159 = arith.constant 0 : i32
        %get3A_160 = arith.index_cast %get3A_159 : i32 to index
        %get3A_161 = arith.index_cast %add3A_158 : i32 to index
        %get3A_162 = tpu.vector_load %arg11[%get3A_160, %get3A_161] {strides = array<i32>} : memref<2x2560xi32, #tpu.memory_space<vmem>>, vector<16xi32>,
        %get3A_163 = arith.constant 1 : i32
        %get3A_164 = arith.index_cast %get3A_163 : i32 to index
        %get3A_165 = arith.index_cast %add3A_158 : i32 to index
        %get3A_166 = tpu.vector_load %arg11[%get3A_164, %get3A_165] {strides = array<i32>} : memref<2x2560xi32, #tpu.memory_space<vmem>>, vector<16xi32>,
        %get3A_167 = arith.index_cast %add3A_158 : i32 to index
        %get3A_168 = tpu.vector_load %arg12[%get3A_167] {strides = array<i32>} : memref<2560xi32, #tpu.memory_space<vmem>>, vector<16xi32>,
        %gather3A_169 = tpu.vector_load_idx %arg7[%get3A_162] : memref<100000xi32, #tpu.memory_space<vmem>>[vector<16xi32>], vector<16xi32>,
        %gather3A_170 = tpu.vector_load_idx %arg7[%get3A_166] : memref<100000xi32, #tpu.memory_space<vmem>>[vector<16xi32>], vector<16xi32>,
        %mul3A_171 = arith.constant 9 : i32
        %mul3A_172 = vector.broadcast %mul3A_171 : i32 to vector<16xi32>
        %mul3A_173 = arith.muli %get3A_168, %mul3A_172 : vector<16xi32>
        %mul3A_174 = arith.constant 3 : i32
        %mul3A_175 = vector.broadcast %mul3A_174 : i32 to vector<16xi32>
        %mul3A_176 = arith.muli %gather3A_169, %mul3A_175 : vector<16xi32>
        %add3A_177 = arith.addi %mul3A_173, %mul3A_176 : vector<16xi32>
        %add3A_178 = arith.addi %add3A_177, %gather3A_170 : vector<16xi32>
        %gather3A_179 = tpu.vector_load_idx %arg8[%add3A_178] : memref<512xf32, #tpu.memory_space<vmem>>[vector<16xi32>], vector<16xf32>,
        %add3A_180 = arith.addf %scan3A_100, %gather3A_179 : vector<16xf32>
        %add3A_181 = arith.constant 48 : i32
        %add3A_182 = arith.addi %multiple_of3A_110, %add3A_181 : i32
        %get3A_183 = arith.constant 0 : i32
        %get3A_184 = arith.index_cast %get3A_183 : i32 to index
        %get3A_185 = arith.index_cast %add3A_182 : i32 to index
        %get3A_186 = tpu.vector_load %arg11[%get3A_184, %get3A_185] {strides = array<i32>} : memref<2x2560xi32, #tpu.memory_space<vmem>>, vector<16xi32>,
        %get3A_187 = arith.constant 1 : i32
        %get3A_188 = arith.index_cast %get3A_187 : i32 to index
        %get3A_189 = arith.index_cast %add3A_182 : i32 to index
        %get3A_190 = tpu.vector_load %arg11[%get3A_188, %get3A_189] {strides = array<i32>} : memref<2x2560xi32, #tpu.memory_space<vmem>>, vector<16xi32>,
        %get3A_191 = arith.index_cast %add3A_182 : i32 to index
        %get3A_192 = tpu.vector_load %arg12[%get3A_191] {strides = array<i32>} : memref<2560xi32, #tpu.memory_space<vmem>>, vector<16xi32>,
        %gather3A_193 = tpu.vector_load_idx %arg7[%get3A_186] : memref<100000xi32, #tpu.memory_space<vmem>>[vector<16xi32>], vector<16xi32>,
        %gather3A_194 = tpu.vector_load_idx %arg7[%get3A_190] : memref<100000xi32, #tpu.memory_space<vmem>>[vector<16xi32>], vector<16xi32>,
        %mul3A_195 = arith.constant 9 : i32
        %mul3A_196 = vector.broadcast %mul3A_195 : i32 to vector<16xi32>
        %mul3A_197 = arith.muli %get3A_192, %mul3A_196 : vector<16xi32>
        %mul3A_198 = arith.constant 3 : i32
        %mul3A_199 = vector.broadcast %mul3A_198 : i32 to vector<16xi32>
        %mul3A_200 = arith.muli %gather3A_193, %mul3A_199 : vector<16xi32>
        %add3A_201 = arith.addi %mul3A_197, %mul3A_200 : vector<16xi32>
        %add3A_202 = arith.addi %add3A_201, %gather3A_194 : vector<16xi32>
        %gather3A_203 = tpu.vector_load_idx %arg8[%add3A_202] : memref<512xf32, #tpu.memory_space<vmem>>[vector<16xi32>], vector<16xf32>,
        %add3A_204 = arith.addf %scan3A_101, %gather3A_203 : vector<16xf32>
        %add3A_205 = arith.constant 64 : i32
        %add3A_206 = arith.addi %multiple_of3A_110, %add3A_205 : i32
        %get3A_207 = arith.constant 0 : i32
        %get3A_208 = arith.index_cast %get3A_207 : i32 to index
        %get3A_209 = arith.index_cast %add3A_206 : i32 to index
        %get3A_210 = tpu.vector_load %arg11[%get3A_208, %get3A_209] {strides = array<i32>} : memref<2x2560xi32, #tpu.memory_space<vmem>>, vector<16xi32>,
        %get3A_211 = arith.constant 1 : i32
        %get3A_212 = arith.index_cast %get3A_211 : i32 to index
        %get3A_213 = arith.index_cast %add3A_206 : i32 to index
        %get3A_214 = tpu.vector_load %arg11[%get3A_212, %get3A_213] {strides = array<i32>} : memref<2x2560xi32, #tpu.memory_space<vmem>>, vector<16xi32>,
        %get3A_215 = arith.index_cast %add3A_206 : i32 to index
        %get3A_216 = tpu.vector_load %arg12[%get3A_215] {strides = array<i32>} : memref<2560xi32, #tpu.memory_space<vmem>>, vector<16xi32>,
        %gather3A_217 = tpu.vector_load_idx %arg7[%get3A_210] : memref<100000xi32, #tpu.memory_space<vmem>>[vector<16xi32>], vector<16xi32>,
        %gather3A_218 = tpu.vector_load_idx %arg7[%get3A_214] : memref<100000xi32, #tpu.memory_space<vmem>>[vector<16xi32>], vector<16xi32>,
        %mul3A_219 = arith.constant 9 : i32
        %mul3A_220 = vector.broadcast %mul3A_219 : i32 to vector<16xi32>
        %mul3A_221 = arith.muli %get3A_216, %mul3A_220 : vector<16xi32>
        %mul3A_222 = arith.constant 3 : i32
        %mul3A_223 = vector.broadcast %mul3A_222 : i32 to vector<16xi32>
        %mul3A_224 = arith.muli %gather3A_217, %mul3A_223 : vector<16xi32>
        %add3A_225 = arith.addi %mul3A_221, %mul3A_224 : vector<16xi32>
        %add3A_226 = arith.addi %add3A_225, %gather3A_218 : vector<16xi32>
        %gather3A_227 = tpu.vector_load_idx %arg8[%add3A_226] : memref<512xf32, #tpu.memory_space<vmem>>[vector<16xi32>], vector<16xf32>,
        %add3A_228 = arith.addf %scan3A_102, %gather3A_227 : vector<16xf32>
        %add3A_229 = arith.constant 80 : i32
        %add3A_230 = arith.addi %multiple_of3A_110, %add3A_229 : i32
        %get3A_231 = arith.constant 0 : i32
        %get3A_232 = arith.index_cast %get3A_231 : i32 to index
        %get3A_233 = arith.index_cast %add3A_230 : i32 to index
        %get3A_234 = tpu.vector_load %arg11[%get3A_232, %get3A_233] {strides = array<i32>} : memref<2x2560xi32, #tpu.memory_space<vmem>>, vector<16xi32>,
        %get3A_235 = arith.constant 1 : i32
        %get3A_236 = arith.index_cast %get3A_235 : i32 to index
        %get3A_237 = arith.index_cast %add3A_230 : i32 to index
        %get3A_238 = tpu.vector_load %arg11[%get3A_236, %get3A_237] {strides = array<i32>} : memref<2x2560xi32, #tpu.memory_space<vmem>>, vector<16xi32>,
        %get3A_239 = arith.index_cast %add3A_230 : i32 to index
        %get3A_240 = tpu.vector_load %arg12[%get3A_239] {strides = array<i32>} : memref<2560xi32, #tpu.memory_space<vmem>>, vector<16xi32>,
        %gather3A_241 = tpu.vector_load_idx %arg7[%get3A_234] : memref<100000xi32, #tpu.memory_space<vmem>>[vector<16xi32>], vector<16xi32>,
        %gather3A_242 = tpu.vector_load_idx %arg7[%get3A_238] : memref<100000xi32, #tpu.memory_space<vmem>>[vector<16xi32>], vector<16xi32>,
        %mul3A_243 = arith.constant 9 : i32
        %mul3A_244 = vector.broadcast %mul3A_243 : i32 to vector<16xi32>
        %mul3A_245 = arith.muli %get3A_240, %mul3A_244 : vector<16xi32>
        %mul3A_246 = arith.constant 3 : i32
        %mul3A_247 = vector.broadcast %mul3A_246 : i32 to vector<16xi32>
        %mul3A_248 = arith.muli %gather3A_241, %mul3A_247 : vector<16xi32>
        %add3A_249 = arith.addi %mul3A_245, %mul3A_248 : vector<16xi32>
        %add3A_250 = arith.addi %add3A_249, %gather3A_242 : vector<16xi32>
        %gather3A_251 = tpu.vector_load_idx %arg8[%add3A_250] : memref<512xf32, #tpu.memory_space<vmem>>[vector<16xi32>], vector<16xf32>,
        %add3A_252 = arith.addf %scan3A_103, %gather3A_251 : vector<16xf32>
        %add3A_253 = arith.constant 96 : i32
        %add3A_254 = arith.addi %multiple_of3A_110, %add3A_253 : i32
        %get3A_255 = arith.constant 0 : i32
        %get3A_256 = arith.index_cast %get3A_255 : i32 to index
        %get3A_257 = arith.index_cast %add3A_254 : i32 to index
        %get3A_258 = tpu.vector_load %arg11[%get3A_256, %get3A_257] {strides = array<i32>} : memref<2x2560xi32, #tpu.memory_space<vmem>>, vector<16xi32>,
        %get3A_259 = arith.constant 1 : i32
        %get3A_260 = arith.index_cast %get3A_259 : i32 to index
        %get3A_261 = arith.index_cast %add3A_254 : i32 to index
        %get3A_262 = tpu.vector_load %arg11[%get3A_260, %get3A_261] {strides = array<i32>} : memref<2x2560xi32, #tpu.memory_space<vmem>>, vector<16xi32>,
        %get3A_263 = arith.index_cast %add3A_254 : i32 to index
        %get3A_264 = tpu.vector_load %arg12[%get3A_263] {strides = array<i32>} : memref<2560xi32, #tpu.memory_space<vmem>>, vector<16xi32>,
        %gather3A_265 = tpu.vector_load_idx %arg7[%get3A_258] : memref<100000xi32, #tpu.memory_space<vmem>>[vector<16xi32>], vector<16xi32>,
        %gather3A_266 = tpu.vector_load_idx %arg7[%get3A_262] : memref<100000xi32, #tpu.memory_space<vmem>>[vector<16xi32>], vector<16xi32>,
        %mul3A_267 = arith.constant 9 : i32
        %mul3A_268 = vector.broadcast %mul3A_267 : i32 to vector<16xi32>
        %mul3A_269 = arith.muli %get3A_264, %mul3A_268 : vector<16xi32>
        %mul3A_270 = arith.constant 3 : i32
        %mul3A_271 = vector.broadcast %mul3A_270 : i32 to vector<16xi32>
        %mul3A_272 = arith.muli %gather3A_265, %mul3A_271 : vector<16xi32>
        %add3A_273 = arith.addi %mul3A_269, %mul3A_272 : vector<16xi32>
        %add3A_274 = arith.addi %add3A_273, %gather3A_266 : vector<16xi32>
        %gather3A_275 = tpu.vector_load_idx %arg8[%add3A_274] : memref<512xf32, #tpu.memory_space<vmem>>[vector<16xi32>], vector<16xf32>,
        %add3A_276 = arith.addf %scan3A_104, %gather3A_275 : vector<16xf32>
        %add3A_277 = arith.constant 112 : i32
        %add3A_278 = arith.addi %multiple_of3A_110, %add3A_277 : i32
        %get3A_279 = arith.constant 0 : i32
        %get3A_280 = arith.index_cast %get3A_279 : i32 to index
        %get3A_281 = arith.index_cast %add3A_278 : i32 to index
        %get3A_282 = tpu.vector_load %arg11[%get3A_280, %get3A_281] {strides = array<i32>} : memref<2x2560xi32, #tpu.memory_space<vmem>>, vector<16xi32>,
        %get3A_283 = arith.constant 1 : i32
        %get3A_284 = arith.index_cast %get3A_283 : i32 to index
        %get3A_285 = arith.index_cast %add3A_278 : i32 to index
        %get3A_286 = tpu.vector_load %arg11[%get3A_284, %get3A_285] {strides = array<i32>} : memref<2x2560xi32, #tpu.memory_space<vmem>>, vector<16xi32>,
        %get3A_287 = arith.index_cast %add3A_278 : i32 to index
        %get3A_288 = tpu.vector_load %arg12[%get3A_287] {strides = array<i32>} : memref<2560xi32, #tpu.memory_space<vmem>>, vector<16xi32>,
        %gather3A_289 = tpu.vector_load_idx %arg7[%get3A_282] : memref<100000xi32, #tpu.memory_space<vmem>>[vector<16xi32>], vector<16xi32>,
        %gather3A_290 = tpu.vector_load_idx %arg7[%get3A_286] : memref<100000xi32, #tpu.memory_space<vmem>>[vector<16xi32>], vector<16xi32>,
        %mul3A_291 = arith.constant 9 : i32
        %mul3A_292 = vector.broadcast %mul3A_291 : i32 to vector<16xi32>
        %mul3A_293 = arith.muli %get3A_288, %mul3A_292 : vector<16xi32>
        %mul3A_294 = arith.constant 3 : i32
        %mul3A_295 = vector.broadcast %mul3A_294 : i32 to vector<16xi32>
        %mul3A_296 = arith.muli %gather3A_289, %mul3A_295 : vector<16xi32>
        %add3A_297 = arith.addi %mul3A_293, %mul3A_296 : vector<16xi32>
        %add3A_298 = arith.addi %add3A_297, %gather3A_290 : vector<16xi32>
        %gather3A_299 = tpu.vector_load_idx %arg8[%add3A_298] : memref<512xf32, #tpu.memory_space<vmem>>[vector<16xi32>], vector<16xf32>,
        %add3A_300 = arith.addf %scan3A_105, %gather3A_299 : vector<16xf32>
        %add3A_301 = arith.constant 128 : i32
        %add3A_302 = arith.addi %multiple_of3A_110, %add3A_301 : i32
        %get3A_303 = arith.constant 0 : i32
        %get3A_304 = arith.index_cast %get3A_303 : i32 to index
        %get3A_305 = arith.index_cast %add3A_302 : i32 to index
        %get3A_306 = tpu.vector_load %arg11[%get3A_304, %get3A_305] {strides = array<i32>} : memref<2x2560xi32, #tpu.memory_space<vmem>>, vector<16xi32>,
        %get3A_307 = arith.constant 1 : i32
        %get3A_308 = arith.index_cast %get3A_307 : i32 to index
        %get3A_309 = arith.index_cast %add3A_302 : i32 to index
        %get3A_310 = tpu.vector_load %arg11[%get3A_308, %get3A_309] {strides = array<i32>} : memref<2x2560xi32, #tpu.memory_space<vmem>>, vector<16xi32>,
        %get3A_311 = arith.index_cast %add3A_302 : i32 to index
        %get3A_312 = tpu.vector_load %arg12[%get3A_311] {strides = array<i32>} : memref<2560xi32, #tpu.memory_space<vmem>>, vector<16xi32>,
        %gather3A_313 = tpu.vector_load_idx %arg7[%get3A_306] : memref<100000xi32, #tpu.memory_space<vmem>>[vector<16xi32>], vector<16xi32>,
        %gather3A_314 = tpu.vector_load_idx %arg7[%get3A_310] : memref<100000xi32, #tpu.memory_space<vmem>>[vector<16xi32>], vector<16xi32>,
        %mul3A_315 = arith.constant 9 : i32
        %mul3A_316 = vector.broadcast %mul3A_315 : i32 to vector<16xi32>
        %mul3A_317 = arith.muli %get3A_312, %mul3A_316 : vector<16xi32>
        %mul3A_318 = arith.constant 3 : i32
        %mul3A_319 = vector.broadcast %mul3A_318 : i32 to vector<16xi32>
        %mul3A_320 = arith.muli %gather3A_313, %mul3A_319 : vector<16xi32>
        %add3A_321 = arith.addi %mul3A_317, %mul3A_320 : vector<16xi32>
        %add3A_322 = arith.addi %add3A_321, %gather3A_314 : vector<16xi32>
        %gather3A_323 = tpu.vector_load_idx %arg8[%add3A_322] : memref<512xf32, #tpu.memory_space<vmem>>[vector<16xi32>], vector<16xf32>,
        %add3A_324 = arith.addf %scan3A_106, %gather3A_323 : vector<16xf32>
        %add3A_325 = arith.constant 144 : i32
        %add3A_326 = arith.addi %multiple_of3A_110, %add3A_325 : i32
        %get3A_327 = arith.constant 0 : i32
        %get3A_328 = arith.index_cast %get3A_327 : i32 to index
        %get3A_329 = arith.index_cast %add3A_326 : i32 to index
        %get3A_330 = tpu.vector_load %arg11[%get3A_328, %get3A_329] {strides = array<i32>} : memref<2x2560xi32, #tpu.memory_space<vmem>>, vector<16xi32>,
        %get3A_331 = arith.constant 1 : i32
        %get3A_332 = arith.index_cast %get3A_331 : i32 to index
        %get3A_333 = arith.index_cast %add3A_326 : i32 to index
        %get3A_334 = tpu.vector_load %arg11[%get3A_332, %get3A_333] {strides = array<i32>} : memref<2x2560xi32, #tpu.memory_space<vmem>>, vector<16xi32>,
        %get3A_335 = arith.index_cast %add3A_326 : i32 to index
        %get3A_336 = tpu.vector_load %arg12[%get3A_335] {strides = array<i32>} : memref<2560xi32, #tpu.memory_space<vmem>>, vector<16xi32>,
        %gather3A_337 = tpu.vector_load_idx %arg7[%get3A_330] : memref<100000xi32, #tpu.memory_space<vmem>>[vector<16xi32>], vector<16xi32>,
        %gather3A_338 = tpu.vector_load_idx %arg7[%get3A_334] : memref<100000xi32, #tpu.memory_space<vmem>>[vector<16xi32>], vector<16xi32>,
        %mul3A_339 = arith.constant 9 : i32
        %mul3A_340 = vector.broadcast %mul3A_339 : i32 to vector<16xi32>
        %mul3A_341 = arith.muli %get3A_336, %mul3A_340 : vector<16xi32>
        %mul3A_342 = arith.constant 3 : i32
        %mul3A_343 = vector.broadcast %mul3A_342 : i32 to vector<16xi32>
        %mul3A_344 = arith.muli %gather3A_337, %mul3A_343 : vector<16xi32>
        %add3A_345 = arith.addi %mul3A_341, %mul3A_344 : vector<16xi32>
        %add3A_346 = arith.addi %add3A_345, %gather3A_338 : vector<16xi32>
        %gather3A_347 = tpu.vector_load_idx %arg8[%add3A_346] : memref<512xf32, #tpu.memory_space<vmem>>[vector<16xi32>], vector<16xf32>,
        %add3A_348 = arith.addf %scan3A_107, %gather3A_347 : vector<16xf32>
        scf.yield %add3A_132, %add3A_156, %add3A_180, %add3A_204, %add3A_228, %add3A_252, %add3A_276, %add3A_300, %add3A_324, %add3A_348 : vector<16xf32>, vector<16xf32>, vector<16xf32>, vector<16xf32>, vector<16xf32>, vector<16xf32>, vector<16xf32>, vector<16xf32>, vector<16xf32>, vector<16xf32>
      }
      %scan3A_91 = arith.constant 16 : i32
      %not3A_92 = arith.constant true
      %not3A_93 = arith.xori %eq3A_56, %not3A_92 : i1
      %convert_element_type3A_94 = arith.extui %not3A_93 : i1 to i32
      %cond3A_95 = arith.constant 0 : i32
      %cond3A_96 = arith.cmpi ne, %convert_element_type3A_94, %cond3A_95 : i32
      scf.if %cond3A_96 {
        %mul3A_97 = arith.constant 2 : i32
        %mul3A_98 = arith.muli %mul3A_97, %scan3A_45 : i32
        %add3A_99 = arith.addi %mul3A_2, %mul3A_98 : i32
        %add3A_100 = arith.constant 3 : i32
        %add3A_101 = arith.addi %add3A_99, %add3A_100 : i32
        %mul3A_102 = arith.constant 2560 : i32
        %mul3A_103 = arith.muli %add3A_101, %mul3A_102 : i32
        %multiple_of3A_104 = tpu.assume_multiple %mul3A_103, 128 : i32
        %dma_start3A_105 = arith.constant 0 : i32
        %dma_start3A_106 = tpu.memref_slice %arg2[%dma_start3A_105, %multiple_of3A_104] : memref<2x6400000xi32, #tpu.memory_space<hbm>> -> memref<2x2560xi32, #tpu.memory_space<hbm>>
        %dma_start3A_107 = arith.constant 0 : i32
        %dma_start3A_108 = tpu.memref_slice %arg2[%dma_start3A_107, %multiple_of3A_104] : memref<2x6400000xi32, #tpu.memory_space<hbm>> -> memref<2x2560xi32, #tpu.memory_space<hbm>>
        tpu.enqueue_dma source(%dma_start3A_108 : memref<2x2560xi32, #tpu.memory_space<hbm>>) target(%arg11 : memref<2x2560xi32, #tpu.memory_space<vmem>>) target_semaphore(%arg15 : memref<!tpu.dma_semaphore, #tpu.memory_space<semaphore_mem>>)
        %dma_start3A_109 = tpu.memref_slice %arg3[%multiple_of3A_104] : memref<6400000xi32, #tpu.memory_space<hbm>> -> memref<2560xi32, #tpu.memory_space<hbm>>
        %dma_start3A_110 = tpu.memref_slice %arg3[%multiple_of3A_104] : memref<6400000xi32, #tpu.memory_space<hbm>> -> memref<2560xi32, #tpu.memory_space<hbm>>
        tpu.enqueue_dma source(%dma_start3A_110 : memref<2560xi32, #tpu.memory_space<hbm>>) target(%arg12 : memref<2560xi32, #tpu.memory_space<vmem>>) target_semaphore(%arg15 : memref<!tpu.dma_semaphore, #tpu.memory_space<semaphore_mem>>)
      } else {
      }
      scf.yield %scan3A_90#0, %scan3A_90#1, %scan3A_90#2, %scan3A_90#3, %scan3A_90#4, %scan3A_90#5, %scan3A_90#6, %scan3A_90#7, %scan3A_90#8, %scan3A_90#9 : vector<16xf32>, vector<16xf32>, vector<16xf32>, vector<16xf32>, vector<16xf32>, vector<16xf32>, vector<16xf32>, vector<16xf32>, vector<16xf32>, vector<16xf32>
    }
    %scan3A_26 = arith.constant 39 : i32
    %lt3A = arith.constant 4 : i32
    %lt3A_27 = arith.cmpi slt, %add3A, %lt3A : i32
    %convert_element_type3A = arith.extui %lt3A_27 : i1 to i32
    %cond3A = arith.constant 0 : i32
    %cond3A_28 = arith.cmpi ne, %convert_element_type3A, %cond3A : i32
    scf.if %cond3A_28 {
      %add3A_45 = arith.constant 2496 : i32
      %add3A_46 = arith.addi %add3A_45, %add3A : i32
      %mul3A_47 = arith.constant 2560 : i32
      %mul3A_48 = arith.muli %add3A_46, %mul3A_47 : i32
      %multiple_of3A_49 = tpu.assume_multiple %mul3A_48, 128 : i32
      %dma_start3A_50 = arith.constant 0 : i32
      %dma_start3A_51 = tpu.memref_slice %arg2[%dma_start3A_50, %multiple_of3A_49] : memref<2x6400000xi32, #tpu.memory_space<hbm>> -> memref<2x2560xi32, #tpu.memory_space<hbm>>
      %dma_start3A_52 = arith.constant 0 : i32
      %dma_start3A_53 = tpu.memref_slice %arg2[%dma_start3A_52, %multiple_of3A_49] : memref<2x6400000xi32, #tpu.memory_space<hbm>> -> memref<2x2560xi32, #tpu.memory_space<hbm>>
      tpu.enqueue_dma source(%dma_start3A_53 : memref<2x2560xi32, #tpu.memory_space<hbm>>) target(%arg9 : memref<2x2560xi32, #tpu.memory_space<vmem>>) target_semaphore(%arg14 : memref<!tpu.dma_semaphore, #tpu.memory_space<semaphore_mem>>)
      %dma_start3A_54 = tpu.memref_slice %arg3[%multiple_of3A_49] : memref<6400000xi32, #tpu.memory_space<hbm>> -> memref<2560xi32, #tpu.memory_space<hbm>>
      %dma_start3A_55 = tpu.memref_slice %arg3[%multiple_of3A_49] : memref<6400000xi32, #tpu.memory_space<hbm>> -> memref<2560xi32, #tpu.memory_space<hbm>>
      tpu.enqueue_dma source(%dma_start3A_55 : memref<2560xi32, #tpu.memory_space<hbm>>) target(%arg10 : memref<2560xi32, #tpu.memory_space<vmem>>) target_semaphore(%arg14 : memref<!tpu.dma_semaphore, #tpu.memory_space<semaphore_mem>>)
    } else {
    }
    %lt3A_29 = arith.constant 4 : i32
    %lt3A_30 = arith.cmpi slt, %add3A, %lt3A_29 : i32
    %convert_element_type3A_31 = arith.extui %lt3A_30 : i1 to i32
    %cond3A_32 = arith.constant 0 : i32
    %cond3A_33 = arith.cmpi ne, %convert_element_type3A_31, %cond3A_32 : i32
    %cond3A_34:10 = scf.if %cond3A_33 -> (vector<16xf32>, vector<16xf32>, vector<16xf32>, vector<16xf32>, vector<16xf32>, vector<16xf32>, vector<16xf32>, vector<16xf32>, vector<16xf32>, vector<16xf32>) {
      %dma_wait3A = arith.constant 0 : i32
      %dma_wait3A_45 = arith.constant 0 : i32
      %dma_wait3A_46 = tpu.memref_slice %arg2[%dma_wait3A, %dma_wait3A_45] : memref<2x6400000xi32, #tpu.memory_space<hbm>> -> memref<2x2560xi32, #tpu.memory_space<hbm>>
      %dma_wait3A_47 = arith.constant 0 : i32
      %dma_wait3A_48 = arith.constant 0 : i32
      %dma_wait3A_49 = tpu.memref_slice %arg2[%dma_wait3A_47, %dma_wait3A_48] : memref<2x6400000xi32, #tpu.memory_space<hbm>> -> memref<2x2560xi32, #tpu.memory_space<hbm>>
      tpu.wait_dma2 semaphore(%arg14 : memref<!tpu.dma_semaphore, #tpu.memory_space<semaphore_mem>>) src(%dma_wait3A_49 : memref<2x2560xi32, #tpu.memory_space<hbm>>) dst(%arg9 : memref<2x2560xi32, #tpu.memory_space<vmem>>)
      %dma_wait3A_50 = arith.constant 0 : i32
      %dma_wait3A_51 = tpu.memref_slice %arg3[%dma_wait3A_50] : memref<6400000xi32, #tpu.memory_space<hbm>> -> memref<2560xi32, #tpu.memory_space<hbm>>
      %dma_wait3A_52 = arith.constant 0 : i32
      %dma_wait3A_53 = tpu.memref_slice %arg3[%dma_wait3A_52] : memref<6400000xi32, #tpu.memory_space<hbm>> -> memref<2560xi32, #tpu.memory_space<hbm>>
      tpu.wait_dma2 semaphore(%arg14 : memref<!tpu.dma_semaphore, #tpu.memory_space<semaphore_mem>>) src(%dma_wait3A_53 : memref<2560xi32, #tpu.memory_space<hbm>>) dst(%arg10 : memref<2560xi32, #tpu.memory_space<vmem>>)
      %scan3A_54 = arith.constant 0 : i32
      %scan3A_55 = arith.constant 16 : i32
      %scan3A_56 = arith.addi %scan3A_54, %scan3A_55 : i32
      %scan3A_57 = arith.constant 1 : i32
      %scan3A_58:10 = scf.for %scan3A_60 = %scan3A_54 to %scan3A_56 step %scan3A_57 iter_args(%scan3A_61 = %scan3A_25#0, %scan3A_62 = %scan3A_25#1, %scan3A_63 = %scan3A_25#2, %scan3A_64 = %scan3A_25#3, %scan3A_65 = %scan3A_25#4, %scan3A_66 = %scan3A_25#5, %scan3A_67 = %scan3A_25#6, %scan3A_68 = %scan3A_25#7, %scan3A_69 = %scan3A_25#8, %scan3A_70 = %scan3A_25#9) -> (vector<16xf32>, vector<16xf32>, vector<16xf32>, vector<16xf32>, vector<16xf32>, vector<16xf32>, vector<16xf32>, vector<16xf32>, vector<16xf32>, vector<16xf32>)  : i32 {
        %mul3A_71 = arith.constant 160 : i32
        %mul3A_72 = arith.muli %scan3A_60, %mul3A_71 : i32
        %multiple_of3A_73 = tpu.assume_multiple %mul3A_72, 16 : i32
        %add3A_74 = arith.constant 0 : i32
        %add3A_75 = arith.addi %multiple_of3A_73, %add3A_74 : i32
        %get3A = arith.constant 0 : i32
        %get3A_76 = arith.index_cast %get3A : i32 to index
        %get3A_77 = arith.index_cast %add3A_75 : i32 to index
        %get3A_78 = tpu.vector_load %arg9[%get3A_76, %get3A_77] {strides = array<i32>} : memref<2x2560xi32, #tpu.memory_space<vmem>>, vector<16xi32>,
        %get3A_79 = arith.constant 1 : i32
        %get3A_80 = arith.index_cast %get3A_79 : i32 to index
        %get3A_81 = arith.index_cast %add3A_75 : i32 to index
        %get3A_82 = tpu.vector_load %arg9[%get3A_80, %get3A_81] {strides = array<i32>} : memref<2x2560xi32, #tpu.memory_space<vmem>>, vector<16xi32>,
        %get3A_83 = arith.index_cast %add3A_75 : i32 to index
        %get3A_84 = tpu.vector_load %arg10[%get3A_83] {strides = array<i32>} : memref<2560xi32, #tpu.memory_space<vmem>>, vector<16xi32>,
        %gather3A = tpu.vector_load_idx %arg7[%get3A_78] : memref<100000xi32, #tpu.memory_space<vmem>>[vector<16xi32>], vector<16xi32>,
        %gather3A_85 = tpu.vector_load_idx %arg7[%get3A_82] : memref<100000xi32, #tpu.memory_space<vmem>>[vector<16xi32>], vector<16xi32>,
        %mul3A_86 = arith.constant 9 : i32
        %mul3A_87 = vector.broadcast %mul3A_86 : i32 to vector<16xi32>
        %mul3A_88 = arith.muli %get3A_84, %mul3A_87 : vector<16xi32>
        %mul3A_89 = arith.constant 3 : i32
        %mul3A_90 = vector.broadcast %mul3A_89 : i32 to vector<16xi32>
        %mul3A_91 = arith.muli %gather3A, %mul3A_90 : vector<16xi32>
        %add3A_92 = arith.addi %mul3A_88, %mul3A_91 : vector<16xi32>
        %add3A_93 = arith.addi %add3A_92, %gather3A_85 : vector<16xi32>
        %gather3A_94 = tpu.vector_load_idx %arg8[%add3A_93] : memref<512xf32, #tpu.memory_space<vmem>>[vector<16xi32>], vector<16xf32>,
        %add3A_95 = arith.addf %scan3A_61, %gather3A_94 : vector<16xf32>
        %add3A_96 = arith.constant 16 : i32
        %add3A_97 = arith.addi %multiple_of3A_73, %add3A_96 : i32
        %get3A_98 = arith.constant 0 : i32
        %get3A_99 = arith.index_cast %get3A_98 : i32 to index
        %get3A_100 = arith.index_cast %add3A_97 : i32 to index
        %get3A_101 = tpu.vector_load %arg9[%get3A_99, %get3A_100] {strides = array<i32>} : memref<2x2560xi32, #tpu.memory_space<vmem>>, vector<16xi32>,
        %get3A_102 = arith.constant 1 : i32
        %get3A_103 = arith.index_cast %get3A_102 : i32 to index
        %get3A_104 = arith.index_cast %add3A_97 : i32 to index
        %get3A_105 = tpu.vector_load %arg9[%get3A_103, %get3A_104] {strides = array<i32>} : memref<2x2560xi32, #tpu.memory_space<vmem>>, vector<16xi32>,
        %get3A_106 = arith.index_cast %add3A_97 : i32 to index
        %get3A_107 = tpu.vector_load %arg10[%get3A_106] {strides = array<i32>} : memref<2560xi32, #tpu.memory_space<vmem>>, vector<16xi32>,
        %gather3A_108 = tpu.vector_load_idx %arg7[%get3A_101] : memref<100000xi32, #tpu.memory_space<vmem>>[vector<16xi32>], vector<16xi32>,
        %gather3A_109 = tpu.vector_load_idx %arg7[%get3A_105] : memref<100000xi32, #tpu.memory_space<vmem>>[vector<16xi32>], vector<16xi32>,
        %mul3A_110 = arith.constant 9 : i32
        %mul3A_111 = vector.broadcast %mul3A_110 : i32 to vector<16xi32>
        %mul3A_112 = arith.muli %get3A_107, %mul3A_111 : vector<16xi32>
        %mul3A_113 = arith.constant 3 : i32
        %mul3A_114 = vector.broadcast %mul3A_113 : i32 to vector<16xi32>
        %mul3A_115 = arith.muli %gather3A_108, %mul3A_114 : vector<16xi32>
        %add3A_116 = arith.addi %mul3A_112, %mul3A_115 : vector<16xi32>
        %add3A_117 = arith.addi %add3A_116, %gather3A_109 : vector<16xi32>
        %gather3A_118 = tpu.vector_load_idx %arg8[%add3A_117] : memref<512xf32, #tpu.memory_space<vmem>>[vector<16xi32>], vector<16xf32>,
        %add3A_119 = arith.addf %scan3A_62, %gather3A_118 : vector<16xf32>
        %add3A_120 = arith.constant 32 : i32
        %add3A_121 = arith.addi %multiple_of3A_73, %add3A_120 : i32
        %get3A_122 = arith.constant 0 : i32
        %get3A_123 = arith.index_cast %get3A_122 : i32 to index
        %get3A_124 = arith.index_cast %add3A_121 : i32 to index
        %get3A_125 = tpu.vector_load %arg9[%get3A_123, %get3A_124] {strides = array<i32>} : memref<2x2560xi32, #tpu.memory_space<vmem>>, vector<16xi32>,
        %get3A_126 = arith.constant 1 : i32
        %get3A_127 = arith.index_cast %get3A_126 : i32 to index
        %get3A_128 = arith.index_cast %add3A_121 : i32 to index
        %get3A_129 = tpu.vector_load %arg9[%get3A_127, %get3A_128] {strides = array<i32>} : memref<2x2560xi32, #tpu.memory_space<vmem>>, vector<16xi32>,
        %get3A_130 = arith.index_cast %add3A_121 : i32 to index
        %get3A_131 = tpu.vector_load %arg10[%get3A_130] {strides = array<i32>} : memref<2560xi32, #tpu.memory_space<vmem>>, vector<16xi32>,
        %gather3A_132 = tpu.vector_load_idx %arg7[%get3A_125] : memref<100000xi32, #tpu.memory_space<vmem>>[vector<16xi32>], vector<16xi32>,
        %gather3A_133 = tpu.vector_load_idx %arg7[%get3A_129] : memref<100000xi32, #tpu.memory_space<vmem>>[vector<16xi32>], vector<16xi32>,
        %mul3A_134 = arith.constant 9 : i32
        %mul3A_135 = vector.broadcast %mul3A_134 : i32 to vector<16xi32>
        %mul3A_136 = arith.muli %get3A_131, %mul3A_135 : vector<16xi32>
        %mul3A_137 = arith.constant 3 : i32
        %mul3A_138 = vector.broadcast %mul3A_137 : i32 to vector<16xi32>
        %mul3A_139 = arith.muli %gather3A_132, %mul3A_138 : vector<16xi32>
        %add3A_140 = arith.addi %mul3A_136, %mul3A_139 : vector<16xi32>
        %add3A_141 = arith.addi %add3A_140, %gather3A_133 : vector<16xi32>
        %gather3A_142 = tpu.vector_load_idx %arg8[%add3A_141] : memref<512xf32, #tpu.memory_space<vmem>>[vector<16xi32>], vector<16xf32>,
        %add3A_143 = arith.addf %scan3A_63, %gather3A_142 : vector<16xf32>
        %add3A_144 = arith.constant 48 : i32
        %add3A_145 = arith.addi %multiple_of3A_73, %add3A_144 : i32
        %get3A_146 = arith.constant 0 : i32
        %get3A_147 = arith.index_cast %get3A_146 : i32 to index
        %get3A_148 = arith.index_cast %add3A_145 : i32 to index
        %get3A_149 = tpu.vector_load %arg9[%get3A_147, %get3A_148] {strides = array<i32>} : memref<2x2560xi32, #tpu.memory_space<vmem>>, vector<16xi32>,
        %get3A_150 = arith.constant 1 : i32
        %get3A_151 = arith.index_cast %get3A_150 : i32 to index
        %get3A_152 = arith.index_cast %add3A_145 : i32 to index
        %get3A_153 = tpu.vector_load %arg9[%get3A_151, %get3A_152] {strides = array<i32>} : memref<2x2560xi32, #tpu.memory_space<vmem>>, vector<16xi32>,
        %get3A_154 = arith.index_cast %add3A_145 : i32 to index
        %get3A_155 = tpu.vector_load %arg10[%get3A_154] {strides = array<i32>} : memref<2560xi32, #tpu.memory_space<vmem>>, vector<16xi32>,
        %gather3A_156 = tpu.vector_load_idx %arg7[%get3A_149] : memref<100000xi32, #tpu.memory_space<vmem>>[vector<16xi32>], vector<16xi32>,
        %gather3A_157 = tpu.vector_load_idx %arg7[%get3A_153] : memref<100000xi32, #tpu.memory_space<vmem>>[vector<16xi32>], vector<16xi32>,
        %mul3A_158 = arith.constant 9 : i32
        %mul3A_159 = vector.broadcast %mul3A_158 : i32 to vector<16xi32>
        %mul3A_160 = arith.muli %get3A_155, %mul3A_159 : vector<16xi32>
        %mul3A_161 = arith.constant 3 : i32
        %mul3A_162 = vector.broadcast %mul3A_161 : i32 to vector<16xi32>
        %mul3A_163 = arith.muli %gather3A_156, %mul3A_162 : vector<16xi32>
        %add3A_164 = arith.addi %mul3A_160, %mul3A_163 : vector<16xi32>
        %add3A_165 = arith.addi %add3A_164, %gather3A_157 : vector<16xi32>
        %gather3A_166 = tpu.vector_load_idx %arg8[%add3A_165] : memref<512xf32, #tpu.memory_space<vmem>>[vector<16xi32>], vector<16xf32>,
        %add3A_167 = arith.addf %scan3A_64, %gather3A_166 : vector<16xf32>
        %add3A_168 = arith.constant 64 : i32
        %add3A_169 = arith.addi %multiple_of3A_73, %add3A_168 : i32
        %get3A_170 = arith.constant 0 : i32
        %get3A_171 = arith.index_cast %get3A_170 : i32 to index
        %get3A_172 = arith.index_cast %add3A_169 : i32 to index
        %get3A_173 = tpu.vector_load %arg9[%get3A_171, %get3A_172] {strides = array<i32>} : memref<2x2560xi32, #tpu.memory_space<vmem>>, vector<16xi32>,
        %get3A_174 = arith.constant 1 : i32
        %get3A_175 = arith.index_cast %get3A_174 : i32 to index
        %get3A_176 = arith.index_cast %add3A_169 : i32 to index
        %get3A_177 = tpu.vector_load %arg9[%get3A_175, %get3A_176] {strides = array<i32>} : memref<2x2560xi32, #tpu.memory_space<vmem>>, vector<16xi32>,
        %get3A_178 = arith.index_cast %add3A_169 : i32 to index
        %get3A_179 = tpu.vector_load %arg10[%get3A_178] {strides = array<i32>} : memref<2560xi32, #tpu.memory_space<vmem>>, vector<16xi32>,
        %gather3A_180 = tpu.vector_load_idx %arg7[%get3A_173] : memref<100000xi32, #tpu.memory_space<vmem>>[vector<16xi32>], vector<16xi32>,
        %gather3A_181 = tpu.vector_load_idx %arg7[%get3A_177] : memref<100000xi32, #tpu.memory_space<vmem>>[vector<16xi32>], vector<16xi32>,
        %mul3A_182 = arith.constant 9 : i32
        %mul3A_183 = vector.broadcast %mul3A_182 : i32 to vector<16xi32>
        %mul3A_184 = arith.muli %get3A_179, %mul3A_183 : vector<16xi32>
        %mul3A_185 = arith.constant 3 : i32
        %mul3A_186 = vector.broadcast %mul3A_185 : i32 to vector<16xi32>
        %mul3A_187 = arith.muli %gather3A_180, %mul3A_186 : vector<16xi32>
        %add3A_188 = arith.addi %mul3A_184, %mul3A_187 : vector<16xi32>
        %add3A_189 = arith.addi %add3A_188, %gather3A_181 : vector<16xi32>
        %gather3A_190 = tpu.vector_load_idx %arg8[%add3A_189] : memref<512xf32, #tpu.memory_space<vmem>>[vector<16xi32>], vector<16xf32>,
        %add3A_191 = arith.addf %scan3A_65, %gather3A_190 : vector<16xf32>
        %add3A_192 = arith.constant 80 : i32
        %add3A_193 = arith.addi %multiple_of3A_73, %add3A_192 : i32
        %get3A_194 = arith.constant 0 : i32
        %get3A_195 = arith.index_cast %get3A_194 : i32 to index
        %get3A_196 = arith.index_cast %add3A_193 : i32 to index
        %get3A_197 = tpu.vector_load %arg9[%get3A_195, %get3A_196] {strides = array<i32>} : memref<2x2560xi32, #tpu.memory_space<vmem>>, vector<16xi32>,
        %get3A_198 = arith.constant 1 : i32
        %get3A_199 = arith.index_cast %get3A_198 : i32 to index
        %get3A_200 = arith.index_cast %add3A_193 : i32 to index
        %get3A_201 = tpu.vector_load %arg9[%get3A_199, %get3A_200] {strides = array<i32>} : memref<2x2560xi32, #tpu.memory_space<vmem>>, vector<16xi32>,
        %get3A_202 = arith.index_cast %add3A_193 : i32 to index
        %get3A_203 = tpu.vector_load %arg10[%get3A_202] {strides = array<i32>} : memref<2560xi32, #tpu.memory_space<vmem>>, vector<16xi32>,
        %gather3A_204 = tpu.vector_load_idx %arg7[%get3A_197] : memref<100000xi32, #tpu.memory_space<vmem>>[vector<16xi32>], vector<16xi32>,
        %gather3A_205 = tpu.vector_load_idx %arg7[%get3A_201] : memref<100000xi32, #tpu.memory_space<vmem>>[vector<16xi32>], vector<16xi32>,
        %mul3A_206 = arith.constant 9 : i32
        %mul3A_207 = vector.broadcast %mul3A_206 : i32 to vector<16xi32>
        %mul3A_208 = arith.muli %get3A_203, %mul3A_207 : vector<16xi32>
        %mul3A_209 = arith.constant 3 : i32
        %mul3A_210 = vector.broadcast %mul3A_209 : i32 to vector<16xi32>
        %mul3A_211 = arith.muli %gather3A_204, %mul3A_210 : vector<16xi32>
        %add3A_212 = arith.addi %mul3A_208, %mul3A_211 : vector<16xi32>
        %add3A_213 = arith.addi %add3A_212, %gather3A_205 : vector<16xi32>
        %gather3A_214 = tpu.vector_load_idx %arg8[%add3A_213] : memref<512xf32, #tpu.memory_space<vmem>>[vector<16xi32>], vector<16xf32>,
        %add3A_215 = arith.addf %scan3A_66, %gather3A_214 : vector<16xf32>
        %add3A_216 = arith.constant 96 : i32
        %add3A_217 = arith.addi %multiple_of3A_73, %add3A_216 : i32
        %get3A_218 = arith.constant 0 : i32
        %get3A_219 = arith.index_cast %get3A_218 : i32 to index
        %get3A_220 = arith.index_cast %add3A_217 : i32 to index
        %get3A_221 = tpu.vector_load %arg9[%get3A_219, %get3A_220] {strides = array<i32>} : memref<2x2560xi32, #tpu.memory_space<vmem>>, vector<16xi32>,
        %get3A_222 = arith.constant 1 : i32
        %get3A_223 = arith.index_cast %get3A_222 : i32 to index
        %get3A_224 = arith.index_cast %add3A_217 : i32 to index
        %get3A_225 = tpu.vector_load %arg9[%get3A_223, %get3A_224] {strides = array<i32>} : memref<2x2560xi32, #tpu.memory_space<vmem>>, vector<16xi32>,
        %get3A_226 = arith.index_cast %add3A_217 : i32 to index
        %get3A_227 = tpu.vector_load %arg10[%get3A_226] {strides = array<i32>} : memref<2560xi32, #tpu.memory_space<vmem>>, vector<16xi32>,
        %gather3A_228 = tpu.vector_load_idx %arg7[%get3A_221] : memref<100000xi32, #tpu.memory_space<vmem>>[vector<16xi32>], vector<16xi32>,
        %gather3A_229 = tpu.vector_load_idx %arg7[%get3A_225] : memref<100000xi32, #tpu.memory_space<vmem>>[vector<16xi32>], vector<16xi32>,
        %mul3A_230 = arith.constant 9 : i32
        %mul3A_231 = vector.broadcast %mul3A_230 : i32 to vector<16xi32>
        %mul3A_232 = arith.muli %get3A_227, %mul3A_231 : vector<16xi32>
        %mul3A_233 = arith.constant 3 : i32
        %mul3A_234 = vector.broadcast %mul3A_233 : i32 to vector<16xi32>
        %mul3A_235 = arith.muli %gather3A_228, %mul3A_234 : vector<16xi32>
        %add3A_236 = arith.addi %mul3A_232, %mul3A_235 : vector<16xi32>
        %add3A_237 = arith.addi %add3A_236, %gather3A_229 : vector<16xi32>
        %gather3A_238 = tpu.vector_load_idx %arg8[%add3A_237] : memref<512xf32, #tpu.memory_space<vmem>>[vector<16xi32>], vector<16xf32>,
        %add3A_239 = arith.addf %scan3A_67, %gather3A_238 : vector<16xf32>
        %add3A_240 = arith.constant 112 : i32
        %add3A_241 = arith.addi %multiple_of3A_73, %add3A_240 : i32
        %get3A_242 = arith.constant 0 : i32
        %get3A_243 = arith.index_cast %get3A_242 : i32 to index
        %get3A_244 = arith.index_cast %add3A_241 : i32 to index
        %get3A_245 = tpu.vector_load %arg9[%get3A_243, %get3A_244] {strides = array<i32>} : memref<2x2560xi32, #tpu.memory_space<vmem>>, vector<16xi32>,
        %get3A_246 = arith.constant 1 : i32
        %get3A_247 = arith.index_cast %get3A_246 : i32 to index
        %get3A_248 = arith.index_cast %add3A_241 : i32 to index
        %get3A_249 = tpu.vector_load %arg9[%get3A_247, %get3A_248] {strides = array<i32>} : memref<2x2560xi32, #tpu.memory_space<vmem>>, vector<16xi32>,
        %get3A_250 = arith.index_cast %add3A_241 : i32 to index
        %get3A_251 = tpu.vector_load %arg10[%get3A_250] {strides = array<i32>} : memref<2560xi32, #tpu.memory_space<vmem>>, vector<16xi32>,
        %gather3A_252 = tpu.vector_load_idx %arg7[%get3A_245] : memref<100000xi32, #tpu.memory_space<vmem>>[vector<16xi32>], vector<16xi32>,
        %gather3A_253 = tpu.vector_load_idx %arg7[%get3A_249] : memref<100000xi32, #tpu.memory_space<vmem>>[vector<16xi32>], vector<16xi32>,
        %mul3A_254 = arith.constant 9 : i32
        %mul3A_255 = vector.broadcast %mul3A_254 : i32 to vector<16xi32>
        %mul3A_256 = arith.muli %get3A_251, %mul3A_255 : vector<16xi32>
        %mul3A_257 = arith.constant 3 : i32
        %mul3A_258 = vector.broadcast %mul3A_257 : i32 to vector<16xi32>
        %mul3A_259 = arith.muli %gather3A_252, %mul3A_258 : vector<16xi32>
        %add3A_260 = arith.addi %mul3A_256, %mul3A_259 : vector<16xi32>
        %add3A_261 = arith.addi %add3A_260, %gather3A_253 : vector<16xi32>
        %gather3A_262 = tpu.vector_load_idx %arg8[%add3A_261] : memref<512xf32, #tpu.memory_space<vmem>>[vector<16xi32>], vector<16xf32>,
        %add3A_263 = arith.addf %scan3A_68, %gather3A_262 : vector<16xf32>
        %add3A_264 = arith.constant 128 : i32
        %add3A_265 = arith.addi %multiple_of3A_73, %add3A_264 : i32
        %get3A_266 = arith.constant 0 : i32
        %get3A_267 = arith.index_cast %get3A_266 : i32 to index
        %get3A_268 = arith.index_cast %add3A_265 : i32 to index
        %get3A_269 = tpu.vector_load %arg9[%get3A_267, %get3A_268] {strides = array<i32>} : memref<2x2560xi32, #tpu.memory_space<vmem>>, vector<16xi32>,
        %get3A_270 = arith.constant 1 : i32
        %get3A_271 = arith.index_cast %get3A_270 : i32 to index
        %get3A_272 = arith.index_cast %add3A_265 : i32 to index
        %get3A_273 = tpu.vector_load %arg9[%get3A_271, %get3A_272] {strides = array<i32>} : memref<2x2560xi32, #tpu.memory_space<vmem>>, vector<16xi32>,
        %get3A_274 = arith.index_cast %add3A_265 : i32 to index
        %get3A_275 = tpu.vector_load %arg10[%get3A_274] {strides = array<i32>} : memref<2560xi32, #tpu.memory_space<vmem>>, vector<16xi32>,
        %gather3A_276 = tpu.vector_load_idx %arg7[%get3A_269] : memref<100000xi32, #tpu.memory_space<vmem>>[vector<16xi32>], vector<16xi32>,
        %gather3A_277 = tpu.vector_load_idx %arg7[%get3A_273] : memref<100000xi32, #tpu.memory_space<vmem>>[vector<16xi32>], vector<16xi32>,
        %mul3A_278 = arith.constant 9 : i32
        %mul3A_279 = vector.broadcast %mul3A_278 : i32 to vector<16xi32>
        %mul3A_280 = arith.muli %get3A_275, %mul3A_279 : vector<16xi32>
        %mul3A_281 = arith.constant 3 : i32
        %mul3A_282 = vector.broadcast %mul3A_281 : i32 to vector<16xi32>
        %mul3A_283 = arith.muli %gather3A_276, %mul3A_282 : vector<16xi32>
        %add3A_284 = arith.addi %mul3A_280, %mul3A_283 : vector<16xi32>
        %add3A_285 = arith.addi %add3A_284, %gather3A_277 : vector<16xi32>
        %gather3A_286 = tpu.vector_load_idx %arg8[%add3A_285] : memref<512xf32, #tpu.memory_space<vmem>>[vector<16xi32>], vector<16xf32>,
        %add3A_287 = arith.addf %scan3A_69, %gather3A_286 : vector<16xf32>
        %add3A_288 = arith.constant 144 : i32
        %add3A_289 = arith.addi %multiple_of3A_73, %add3A_288 : i32
        %get3A_290 = arith.constant 0 : i32
        %get3A_291 = arith.index_cast %get3A_290 : i32 to index
        %get3A_292 = arith.index_cast %add3A_289 : i32 to index
        %get3A_293 = tpu.vector_load %arg9[%get3A_291, %get3A_292] {strides = array<i32>} : memref<2x2560xi32, #tpu.memory_space<vmem>>, vector<16xi32>,
        %get3A_294 = arith.constant 1 : i32
        %get3A_295 = arith.index_cast %get3A_294 : i32 to index
        %get3A_296 = arith.index_cast %add3A_289 : i32 to index
        %get3A_297 = tpu.vector_load %arg9[%get3A_295, %get3A_296] {strides = array<i32>} : memref<2x2560xi32, #tpu.memory_space<vmem>>, vector<16xi32>,
        %get3A_298 = arith.index_cast %add3A_289 : i32 to index
        %get3A_299 = tpu.vector_load %arg10[%get3A_298] {strides = array<i32>} : memref<2560xi32, #tpu.memory_space<vmem>>, vector<16xi32>,
        %gather3A_300 = tpu.vector_load_idx %arg7[%get3A_293] : memref<100000xi32, #tpu.memory_space<vmem>>[vector<16xi32>], vector<16xi32>,
        %gather3A_301 = tpu.vector_load_idx %arg7[%get3A_297] : memref<100000xi32, #tpu.memory_space<vmem>>[vector<16xi32>], vector<16xi32>,
        %mul3A_302 = arith.constant 9 : i32
        %mul3A_303 = vector.broadcast %mul3A_302 : i32 to vector<16xi32>
        %mul3A_304 = arith.muli %get3A_299, %mul3A_303 : vector<16xi32>
        %mul3A_305 = arith.constant 3 : i32
        %mul3A_306 = vector.broadcast %mul3A_305 : i32 to vector<16xi32>
        %mul3A_307 = arith.muli %gather3A_300, %mul3A_306 : vector<16xi32>
        %add3A_308 = arith.addi %mul3A_304, %mul3A_307 : vector<16xi32>
        %add3A_309 = arith.addi %add3A_308, %gather3A_301 : vector<16xi32>
        %gather3A_310 = tpu.vector_load_idx %arg8[%add3A_309] : memref<512xf32, #tpu.memory_space<vmem>>[vector<16xi32>], vector<16xf32>,
        %add3A_311 = arith.addf %scan3A_70, %gather3A_310 : vector<16xf32>
        scf.yield %add3A_95, %add3A_119, %add3A_143, %add3A_167, %add3A_191, %add3A_215, %add3A_239, %add3A_263, %add3A_287, %add3A_311 : vector<16xf32>, vector<16xf32>, vector<16xf32>, vector<16xf32>, vector<16xf32>, vector<16xf32>, vector<16xf32>, vector<16xf32>, vector<16xf32>, vector<16xf32>
      }
      %scan3A_59 = arith.constant 16 : i32
      scf.yield %scan3A_58#0, %scan3A_58#1, %scan3A_58#2, %scan3A_58#3, %scan3A_58#4, %scan3A_58#5, %scan3A_58#6, %scan3A_58#7, %scan3A_58#8, %scan3A_58#9 : vector<16xf32>, vector<16xf32>, vector<16xf32>, vector<16xf32>, vector<16xf32>, vector<16xf32>, vector<16xf32>, vector<16xf32>, vector<16xf32>, vector<16xf32>
    } else {
      scf.yield %scan3A_25#0, %scan3A_25#1, %scan3A_25#2, %scan3A_25#3, %scan3A_25#4, %scan3A_25#5, %scan3A_25#6, %scan3A_25#7, %scan3A_25#8, %scan3A_25#9 : vector<16xf32>, vector<16xf32>, vector<16xf32>, vector<16xf32>, vector<16xf32>, vector<16xf32>, vector<16xf32>, vector<16xf32>, vector<16xf32>, vector<16xf32>
    }
    %add3A_35 = arith.addf %cond3A_34#0, %cond3A_34#1 : vector<16xf32>
    %add3A_36 = arith.addf %add3A_35, %cond3A_34#2 : vector<16xf32>
    %add3A_37 = arith.addf %add3A_36, %cond3A_34#3 : vector<16xf32>
    %add3A_38 = arith.addf %add3A_37, %cond3A_34#4 : vector<16xf32>
    %add3A_39 = arith.addf %add3A_38, %cond3A_34#5 : vector<16xf32>
    %add3A_40 = arith.addf %add3A_39, %cond3A_34#6 : vector<16xf32>
    %add3A_41 = arith.addf %add3A_40, %cond3A_34#7 : vector<16xf32>
    %add3A_42 = arith.addf %add3A_41, %cond3A_34#8 : vector<16xf32>
    %add3A_43 = arith.addf %add3A_42, %cond3A_34#9 : vector<16xf32>
    %swap3A = arith.constant 0 : index
    %swap3A_44 = tpu.vector_load %arg13[%swap3A] {strides = array<i32>} : memref<16xf32, #tpu.memory_space<vmem>>, vector<16xf32>,
    tpu.vector_store %arg13[%swap3A], %add3A_43 {strides = array<i32>} : memref<16xf32, #tpu.memory_space<vmem>>, vector<16xf32>,
    "tpu.region"() ({
      %run_scoped3A = tpu.sem_alloc : memref<!tpu.dma_semaphore, #tpu.memory_space<semaphore_mem>>
      %dma_start3A_45 = arith.constant 0 : i32
      %dma_start3A_46 = tpu.memref_slice %arg6[%add3A, %dma_start3A_45] : memref<32x16xf32, #tpu.memory_space<hbm>> -> memref<1x16xf32, #tpu.memory_space<hbm>>
      %dma_start3A_47 = tpu.memref_squeeze %dma_start3A_46 : memref<1x16xf32, #tpu.memory_space<hbm>> -> memref<16xf32, #tpu.memory_space<hbm>>
      %dma_start3A_48 = arith.constant 0 : i32
      %dma_start3A_49 = tpu.memref_slice %arg6[%add3A, %dma_start3A_48] : memref<32x16xf32, #tpu.memory_space<hbm>> -> memref<1x16xf32, #tpu.memory_space<hbm>>
      %dma_start3A_50 = tpu.memref_squeeze %dma_start3A_49 : memref<1x16xf32, #tpu.memory_space<hbm>> -> memref<16xf32, #tpu.memory_space<hbm>>
      tpu.enqueue_dma source(%arg13 : memref<16xf32, #tpu.memory_space<vmem>>) target(%dma_start3A_50 : memref<16xf32, #tpu.memory_space<hbm>>) target_semaphore(%run_scoped3A : memref<!tpu.dma_semaphore, #tpu.memory_space<semaphore_mem>>)
      %dma_wait3A = arith.constant 0 : i32
      %dma_wait3A_51 = tpu.memref_slice %arg6[%add3A, %dma_wait3A] : memref<32x16xf32, #tpu.memory_space<hbm>> -> memref<1x16xf32, #tpu.memory_space<hbm>>
      %dma_wait3A_52 = tpu.memref_squeeze %dma_wait3A_51 : memref<1x16xf32, #tpu.memory_space<hbm>> -> memref<16xf32, #tpu.memory_space<hbm>>
      %dma_wait3A_53 = arith.constant 0 : i32
      %dma_wait3A_54 = tpu.memref_slice %arg6[%add3A, %dma_wait3A_53] : memref<32x16xf32, #tpu.memory_space<hbm>> -> memref<1x16xf32, #tpu.memory_space<hbm>>
      %dma_wait3A_55 = tpu.memref_squeeze %dma_wait3A_54 : memref<1x16xf32, #tpu.memory_space<hbm>> -> memref<16xf32, #tpu.memory_space<hbm>>
      tpu.wait_dma2 semaphore(%run_scoped3A : memref<!tpu.dma_semaphore, #tpu.memory_space<semaphore_mem>>) src(%arg13 : memref<16xf32, #tpu.memory_space<vmem>>) dst(%dma_wait3A_55 : memref<16xf32, #tpu.memory_space<hbm>>)
      tpu.yield
    }) : () -> ()
    return
  }
}

</mosaic_0001>

<sc_bundles>
// kernel: _run.3.cloned.1.call-start
scs
__scs_entry_jumppad:
0x0: {  	(pc) =	sbr.rel $0x88, $3  }
0x1: {  	(tag) =	ssettag $0x0;
	lr =	simm.s32 $0x1  }
0x2: {  	[smem:$0x3F9D] =	sst lr;
	_ =	strace $0xD0000000  }
0x3: {  	_ = 	snop  }
0x4: {  	_ = 	snop  }
0x5: {  	_ = 	snop  }
0x6: {  	_ = 	snop  }
0x7: {  	_ = 	snop  }
__scs_overlays_trampoline_lowered:
0x8: {  	[smem:$0x3FAC] =	sst s0  }
0x9: {  	[smem:$0x3FAD] =	sst s1  }
0xa: {  	[smem:$0x3FAE] =	sst s2  }
0xb: {  	[smem:$0x3FAF] =	sst s3  }
0xc: {  	[smem:$0x3FB0] =	sst s4  }
0xd: {  	[smem:$0x3FB1] =	sst s5  }
0xe: {  	[smem:$0x3FB2] =	sst s6  }
0xf: {  	[smem:$0x3FB3] =	sst s7  }
0x10: {  	[smem:$0x3FB4] =	sst s8  }
0x11: {  	[smem:$0x3FB5] =	sst s9;
	s0 =	simm.s32 @!p0 $0x0  }
0x12: {  	s1 =	sld [smem:$0x3F9B];
	s0 =	simm.s32 @p0 $0x1  }
0x13: {  	[smem:$0x3FB6] =	sst s0;
	s0 =	simm.s32 @!p1 $0x0  }
0x14: {  	s2 =	sld [smem:$0x3F9A];
	s0 =	simm.s32 @p1 $0x1  }
0x15: {  	[smem:$0x3FB7] =	sst s0;
	s0 =	simm.s32 @!p2 $0x0  }
0x16: {  	s3 =	sld [smem:$0x3FDB];
	s0 =	simm.s32 @p2 $0x1  }
0x17: {  	s4 =	simm.s32 $0x1BF5;
	[smem:$0x3FB9] =	sst s0  }
0x18: {  	s0 =	sld [smem:$0x3F9C];
	_ =	swait.ge [sflag:s4], $0x0  }
0x19: {  	s7 =	sld [smem:$0x3F9D]  }
0x1a: {  	s8 =	sadd.s32 $0xFFFFE003, lr  }
0x1b: {  	s9 =	sadd.s32 $0xFFFFFEF7, lr;
	s5 =	simm.s32 $0xFFFFFFFF;
	p2 =	slt.u32 s8, $0xFFFFF086  }
0x1c: {  	p1 =	slt.u32 s9, $0xF7A;
	s5 =	simm.s32 @!p2 $0x0  }
0x1d: {  	s5 =	simm.s32 @p1 $0x1;
	p0 =	seq.s32 s7, s2  }
0x1e: {  	s7 =	smul.u32 @!p0 $0xF7A, s2;
	p2 =	seq.s32 @!p0 s5, $0x0  }
0x1f: {  	s9 =	smul.u32 $0xF7A, s1;
	s8 =	simm.s32 @!p0 $0x1BF5;
	p2 =	por !p2, p0  }
0x20: {  	[sflag:s8] =	ssyncset.s32 @!p0 $0xFFFFF086;
	s6 =	sadd.s32 @!p0 s3, s7;
	s7 =	simm.s32 @!p0 $0x108  }
0x21: {  	s3 =	sadd.s32 s3, s9;
	s6 =	sadd.s32 @!p0 $0x88, s6;
	s7 =	simm.s32 @p2 $0x1082  }
0x22: {  	[simem:s7], [sflag:s8] =	dma.local @!p0 [hbm:s6], $0xF7A  }
0x23: {  	s9 =	sor.u32 $0xD0000000, s2;
	s6 =	simm.s32 $0x108;
	_ =	swait.ge @!p0 [sflag:s8], $0x0  }
0x24: {  	s3 =	sadd.s32 $0x88, s3;
	s6 =	simm.s32 @!p1 $0x1082;
	[sflag:s4] =	ssyncset.s32 $0xFFFFF086  }
0x25: {  	[simem:s6], [sflag:s4] =	dma.local [hbm:s3], $0xF7A  }
0x26: {  	[smem:$0x3F9D] =	sst s1;
	(tag) =	ssettag s2;
	_ =	strace s9  }
0x27: {  	s1 =	sld [smem:$0x3FAD]  }
0x28: {  	s2 =	sld [smem:$0x3FAE]  }
0x29: {  	s4 =	sld [smem:$0x3FB0]  }
0x2a: {  	p0 =	seq.s32 s5, $0x0;
	s5 =	sld [smem:$0x3FB1]  }
0x2b: {  	s6 =	sld [smem:$0x3FB2]  }
0x2c: {  	s7 =	sld [smem:$0x3FB3]  }
0x2d: {  	s3 =	simm.s32 $0x108;
	s8 =	sld [smem:$0x3FB4]  }
0x2e: {  	s3 =	simm.s32 @!p0 $0x1082;
	s9 =	sld [smem:$0x3FB5]  }
0x2f: {  	lr =	sadd.s32 s0, s3;
	s0 =	sld [smem:$0x3FAC]  }
0x30: {  	s3 =	sld [smem:$0x3FAF]  }
0x31: {  	[smem:$0x3FB8] =	sst s10  }
0x32: {  	s10 =	sld [smem:$0x3FB6];
	_ =	sdelay $0x3  }
0x33: {  	p0 =	seq.s32 s10, $0x1;
	s10 =	sld [smem:$0x3FB8];
	_ =	sdelay $0x3  }
0x34: {  	[smem:$0x3FB8] =	sst s10  }
0x35: {  	s10 =	sld [smem:$0x3FB7];
	_ =	sdelay $0x3  }
0x36: {  	p1 =	seq.s32 s10, $0x1;
	s10 =	sld [smem:$0x3FB8];
	_ =	sdelay $0x3  }
0x37: {  	[smem:$0x3FB8] =	sst s10  }
0x38: {  	s10 =	sld [smem:$0x3FB9]  }
0x39: {  	_ = 	snop;
	(pc) =	sbr.ind lr, $3  }
0x3a: {  	_ = 	snop  }
0x3b: {  	_ = 	snop  }
0x3c: {  	p2 =	seq.s32 s10, $0x1;
	s10 =	sld [smem:$0x3FB8]  }
0x3d: {  	_ =	shalt  }
0x3e: {  	_ =	shalt  }
0x3f: {  	_ =	shalt  }
0x40: {  	_ =	shalt  }
0x41: {  	_ =	shalt  }
0x42: {  	_ =	shalt  }
0x43: {  	_ =	shalt  }
0x44: {  	_ =	shalt  }
0x45: {  	_ =	shalt  }
0x46: {  	_ =	shalt  }
0x47: {  	_ =	shalt  }
0x48: {  	_ =	shalt  }
0x49: {  	_ =	shalt  }
0x4a: {  	_ =	shalt  }
0x4b: {  	_ =	shalt  }
0x4c: {  	_ =	shalt  }
0x4d: {  	_ =	shalt  }
0x4e: {  	_ =	shalt  }
0x4f: {  	_ =	shalt  }
0x50: {  	_ =	shalt  }
0x51: {  	_ =	shalt  }
0x52: {  	_ =	shalt  }
0x53: {  	_ =	shalt  }
0x54: {  	_ =	shalt  }
0x55: {  	_ =	shalt  }
0x56: {  	_ =	shalt  }
0x57: {  	_ =	shalt  }
0x58: {  	_ =	shalt  }
0x59: {  	_ =	shalt  }
0x5a: {  	_ =	shalt  }
0x5b: {  	_ =	shalt  }
0x5c: {  	_ =	shalt  }
0x5d: {  	_ =	shalt  }
0x5e: {  	_ =	shalt  }
0x5f: {  	_ =	shalt  }
0x60: {  	_ =	shalt  }
0x61: {  	_ =	shalt  }
0x62: {  	_ =	shalt  }
0x63: {  	_ =	shalt  }
0x64: {  	_ =	shalt  }
0x65: {  	_ =	shalt  }
0x66: {  	_ =	shalt  }
0x67: {  	_ =	shalt  }
0x68: {  	_ =	shalt  }
0x69: {  	_ =	shalt  }
0x6a: {  	_ =	shalt  }
0x6b: {  	_ =	shalt  }
0x6c: {  	_ =	shalt  }
0x6d: {  	_ =	shalt  }
0x6e: {  	_ =	shalt  }
0x6f: {  	_ =	shalt  }
0x70: {  	_ =	shalt  }
0x71: {  	_ =	shalt  }
0x72: {  	_ =	shalt  }
0x73: {  	_ =	shalt  }
0x74: {  	_ =	shalt  }
0x75: {  	_ =	shalt  }
0x76: {  	_ =	shalt  }
0x77: {  	_ =	shalt  }
0x78: {  	_ =	shalt  }
0x79: {  	_ =	shalt  }
0x7a: {  	_ =	shalt  }
0x7b: {  	_ =	shalt  }
0x7c: {  	_ =	shalt  }
0x7d: {  	_ =	shalt  }
0x7e: {  	_ =	shalt  }
0x7f: {  	_ =	shalt  }
0x80: {  	_ =	shalt  }
0x81: {  	_ =	shalt  }
0x82: {  	_ =	shalt  }
0x83: {  	_ =	shalt  }
0x84: {  	_ =	shalt  }
0x85: {  	_ =	shalt  }
0x86: {  	_ =	shalt  }
0x87: {  	_ =	shalt  }
.Lfunc_end0:
.L_simem_size_0:
called_computation_lowered:
.L_overlay_start_0:
0x88: {  	s2 =	sld [smem:$0x3FD9]  }
0x89: {  	s3 =	sld [smem:$0x3FFE];
	_ =	sdelay $0x1  }
0x8a: {  	s1 =	srdreg.scid  }
0x8b: {  	s0 =	sand.u32 $0x1, s1  }
0x8c: {  	s17 =	sshll.u32 s0, $0xA;
	s2 =	sadd.s32 s3, s2  }
0x8d: {  	s2 =	sadd.s32 s2, s17  }
0x8e: {  	[smem:$0x3FC4] =	sst s2  }
0x8f: {  	_ = 	snop  }
0x90: {  	s2 =	sld [smem:$0x3FC9]  }
0x91: {  	s18 =	sld [smem:$0x3FC8]  }
0x92: {  	s4 =	sld [smem:$0x3FC7]  }
0x93: {  	s5 =	sld [smem:$0x3FC6];
	(tm) =	ssettm $0x1  }
0x94: {  	s6 =	sld [smem:$0x3FFB];
	_ =	sdelay $0x3  }
0x95: {  	_ =	strace s6  }
0x96: {  	s6 =	sld [smem:$0x3FFC];
	_ =	sdelay $0x3  }
0x97: {  	_ =	strace s6  }
0x98: {  	s6 =	sld [smem:$0x3FFD];
	_ =	sdelay $0x3  }
0x99: {  	_ =	strace s6  }
0x9a: {  	_ =	strace $0x8FFFFFFF  }
0x9b: {  	s19 =	sld [smem:$0x3FDB];
	_ =	sdelay $0x1  }
0x9c: {  	s7 =	simm.s32 $_scs_section_size  }
0x9d: {  	s8 =	simm.s32 $_size__tile_overlayer_lowered;
	s9 =	simm.s32 $_tile_overlayer_lowered  }
0x9e: {  	s22 =	simm.s32 $0x1BFF;
	s21 =	sshll.u32 s9, $0x1;
	s6 =	sadd.s32 s7, s19  }
0x9f: {  	s10 =	simm.s32 $0x0;
	s20 =	sshll.u32 s8, $0x1;
	s8 =	sadd.s32 s21, s6  }
0xa0: {  	[timem:s10], [sflag:s22] =	dma.local [hbm:s8], s20  }
0xa1: {  	_ =	swait.ge [sflag:s22], s20  }
0xa2: {  	s7 =	ssub.s32 $0x0, s20;
	[sflag:s22] =	ssyncset.done $0x0  }
0xa3: {  	[sflag:s22] =	ssyncadd.s32 s7;
	_ =	sdelay $0x1  }
0xa4: {  	s23 =	simm.s32 $0x1B8B  }
0xa5: {  	_ =	swait.ge [sflag:s23], $0x1  }
0xa6: {  	[sflag:s23] =	ssyncset.done $0x0  }
0xa7: {  	s25 =	simm.s32 $0x1B8E;
	s24 =	sld [smem:$0x3FFE];
	[sflag:s23] =	ssyncadd.s32 $0xFFFFFFFF  }
0xa8: {  	s26 =	simm.s32 $execute0_lowered;
	[smem:$0x3FD2] =	sst s25  }
0xa9: {  	s8 =	sshll.u32 s26, $0x1;
	_ =	strace $0x80000046;
	[dreg:$0x1] =	wrdreg $0xFFFFFFFF  }
0xaa: {  	s28 =	simm.s32 $_size_execute0_lowered;
	s6 =	sadd.s32 s6, s8;
	[dreg:$0x0] =	wrdreg $0x0  }
0xab: {  	s8 =	sshll.u32 s28, $0x1;
	[dreg:$0x2] =	wrdreg s6  }
0xac: {  	[dreg:$0x3] =	wrdreg s8  }
0xad: {  	[dreg:$0x4] =	wrdreg $0xC0  }
0xae: {  	_ =	task [dreg:s10], $0x5FFFF  }
0xaf: {  	[dreg:$0x1] =	wrdreg $0xFFFFFFFF  }
0xb0: {  	[dreg:$0x0] =	wrdreg $0x60  }
0xb1: {  	[dreg:$0x2] =	wrdreg s2  }
0xb2: {  	[dreg:$0x3] =	wrdreg s18  }
0xb3: {  	[dreg:$0x4] =	wrdreg s4  }
0xb4: {  	[dreg:$0x5] =	wrdreg s5  }
0xb5: {  	[dreg:$0x6] =	wrdreg s24  }
0xb6: {  	[dreg:$0x7] =	wrdreg $0x9  }
0xb7: {  	_ =	task.clear_ibuf [dreg:s10], $0x8FFFF;
	_ =	strace $0x90000046  }
0xb8: {  	s29 =	simm.s32 $0x9;
	_ =	strace $0x80000048  }
0xb9: {  	_ =	swait.ge [sflag:s29], $0x1  }
0xba: {  	[sflag:s29] =	ssyncadd.s32 $0xFFFFFFFF  }
0xbb: {  	_ =	strace $0x90000048  }
0xbc: {  	_ =	sfence  }
0xbd: {  	s30 =	sld [smem:$0x0];
	_ =	sdelay $0x2  }
0xbe: {  	s31 =	sshll.u32 s1, $0xD;
	s1 =	sshrl.u32 s1, $0x2  }
0xbf: {  	s3 =	sand.u32 $0x4000, s31;
	s1 =	sadd.s32 s1, s30  }
0xc0: {  	s0 =	sor.u32 s3, s0;
	s1 =	sshll.u32 s1, $0x11  }
0xc1: {  	s0 =	sor.u32 s1, s0  }
0xc2: {  	s0 =	sadd.s32 $0x8F2B, s0  }
0xc3: {  	[sflag:s0] =	ssyncadd.remote.s32 $0x1  }
0xc4: {  	_ =	sfence.sel $0xFFFF  }
0xc5: {  	[dreg:$0x0] =	wrdreg $0xFFFFFFFF;
	(pc) =	sbr.abs _section_cstart, $3  }
0xc6: {  	[dreg:$0x1] =	wrdreg $0xFFFFFFFF  }
0xc7: {  	_ =	task.clear_ibuf [dreg:s10], $0x2FFFF;
	_ =	strace $0x9FFFFFFF  }
0xc8: {  	(tm) =	ssettm $0x7FFFFFFF  }
0xc9: {  	_ =	shalt  }
tec
execute0_lowered:
.L_overlay_start_1:
0x0: {  	(tag) =	ssettag $0x1  }
0x1: {  	s1 =	rddreg [dreg:$0x0]  }
0x2: {  	s0 =	srdreg.scid;
	s11 =	stileid.u32  }
0x3: {  	s2 =	rddreg [dreg:$0x1];
	s0 =	sand.u32 $0x1, s0;
	s3 =	sshll.u32 s11, $0x1  }
0x4: {  	s4 =	rddreg [dreg:$0x4];
	s7 =	simm.s32 $0x0;
	s3 =	sor.u32 s0, s3  }
0x5: {  	s17 =	simm.s32 $0x18700;
	s20 =	simm.s32 $0x1A700;
	s6 =	smul.u32 $0x4E, s3  }
0x6: {  	s21 =	simm.s32 $0x1BB00;
	s22 =	simm.s32 $0x1;
	s5 =	smul.u32 $0xC300, s3  }
0x7: {  	s23 =	simm.s32 $0x2;
	[smem:$0x7FF] =	sst s7;
	s9 =	smul.u32 $0x30C00, s3  }
0x8: {  	s0 =	ssub.s32 $0x2, s0;
	_ =	strace $0x80000047;
	s10 =	smul.u32 $0x6180, s3  }
0x9: {  	s8 =	sshrl.u32 s0, $0x1;
	s12 =	smul.u32 $0xA00, s3;
	s3 =	sshll.u32 s3, $0x4  }
0xa: {  	s0 =	ssub.s32 s0, s8;
	s3 =	sadd.s32 s4, s3;
	s5 =	sadd.s32 s1, s5  }
0xb: {  	s25 =	sadd.s32 $0xA00, s9;
	s26 =	sadd.s32 s2, s10;
	[dreg:$0xc] =	wrdreg s3  }
0xc: {  	s30 =	sadd.s32 $0x618000, s12;
	s0 =	smax.u32 s0, $0x1;
	[dreg:$0x6] =	wrdreg s5  }
0xd: {  	[dreg:$0x7] =	wrdreg s26;
	s28 =	sshrl.u32 s25, $0x2;
	s5 =	sshrl.u32 s25, $0x3  }
.Ltmp0:
0xe: {  	[dreg:$0xd] =	wrdreg s0;
	s29 =	sadd.s32 s1, s28;
	(pc) =	sbr.rel .LBB2_1-.Ltmp0, $4  }
0xf: {  	s12 =	sshrl.u32 s30, $0x2;
	s5 =	sadd.s32 s2, s5;
	[dreg:$0x8] =	wrdreg s29  }
0x10: {  	s31 =	sadd.s32 s1, s12;
	[dreg:$0x9] =	wrdreg s5;
	s5 =	sshrl.u32 s30, $0x3  }
0x11: {  	p0 =	sgt.u32 s11, $0x1;
	[dreg:$0xa] =	wrdreg s31;
	s5 =	sadd.s32 s2, s5  }
0x12: {  	s4 =	simm.s32 $0x0;
	s3 =	simm.s32 $0x3;
	[dreg:$0xb] =	wrdreg s5  }
.LBB2_9:
0x13: {  	s4 =	rddreg [dreg:$0xe]  }
.LBB2_13:
0x14: {  	v1 =	vadd.f32 v1, v8;
	_ =	sdelay $0x1  }
0x15: {  	v1 =	vadd.f32 v9, v1;
	_ =	sdelay $0x1  }
0x16: {  	v1 =	vadd.f32 v3, v1;
	_ =	sdelay $0x1  }
0x17: {  	v1 =	vadd.f32 v4, v1;
	_ =	sdelay $0x1  }
0x18: {  	v1 =	vadd.f32 v5, v1;
	_ =	sdelay $0x1  }
0x19: {  	v1 =	vadd.f32 v6, v1;
	_ =	sdelay $0x1  }
0x1a: {  	v1 =	vadd.f32 v7, v1;
	_ =	sdelay $0x1  }
0x1b: {  	v0 =	vadd.f32 v0, v1;
	_ =	sdelay $0x1  }
0x1c: {  	v0 =	vadd.f32 v2, v0;
	_ =	sdelay $0x1  }
0x1d: {  	s0 =	rddreg [dreg:$0xc];
	s3 =	simm.s32 $0x1C500;
	[tilespmem:$0x1C500] =	vst v0  }
0x1e: {  	[hbm4b:s0+s7] =	stream.linear.scatter [tilespmem:s3], [sflag:$0x3], $0x80, $0x38;
	[tilespmem:$0x1C580] =	vst v63  }
0x1f: {  	s3 =	simm.s32 $0x3  }
0x20: {  	_ =	swait.ge [sflag:s3], $0x80  }
0x21: {  	s4 =	sadd.s32 $0x1, s4;
	s31 =	rddreg [dreg:$0xd]  }
0x22: {  	p1 =	sne.s32 s4, s31  }
.Ltmp1:
0x23: {  	_ = 	snop;
	(pc) =	sbr.rel @!p1 .LBB2_14-.Ltmp1, $3  }
0x24: {  	_ =	sdelay $0x1  }
0x25: {  	[sflag:s3] =	ssyncset.done $0x0  }
0x26: {  	[sflag:s3] =	ssyncadd.s32 $0xFFFFFF80  }
.LBB2_1:
0x27: {  	[dreg:$0xe] =	wrdreg s4  }
0x28: {  	s0 =	rddreg [dreg:$0x2]  }
0x29: {  	[tilespmem:s7], [sflag:$0x3] =	stream.linear.gather [hbm4b:s0+s7], $0x18700, $0x38;
	[tilespmem:$0x1C580] =	vst v63  }
0x2a: {  	_ =	swait.ge [sflag:s3], $0x18700  }
0x2b: {  	[sflag:s3] =	ssyncset.done $0x0  }
0x2c: {  	[sflag:s3] =	ssyncadd.s32 $0xFFFE7900  }
0x2d: {  	s24 =	rddreg [dreg:$0x3]  }
0x2e: {  	[tilespmem:s17], [sflag:$0x3] =	stream.linear.gather [hbm4b:s24+s7], $0x200, $0x38;
	[tilespmem:$0x1C580] =	vst v63  }
0x2f: {  	_ =	swait.ge [sflag:s3], $0x200  }
0x30: {  	[sflag:s3] =	ssyncset.done $0x0  }
0x31: {  	s26 =	simm.s32 $0x18900;
	s25 =	rddreg [dreg:$0x6];
	[sflag:s3] =	ssyncadd.s32 $0xFFFFFE00  }
0x32: {  	[tilespmem:s26], [sflag:$0x1] =	stream.linear.gather [hbm4b:s25+s7], $0x1400, $0x38;
	[tilespmem:$0x1C580] =	vst v63  }
0x33: {  	s29 =	simm.s32 $0x19D00;
	s28 =	rddreg [dreg:$0x7]  }
0x34: {  	[tilespmem:s29], [sflag:$0x1] =	stream.linear.gather [hbm4b:s28+s7], $0xA00, $0x38;
	[tilespmem:$0x1C580] =	vst v63  }
0x35: {  	v2 =	vimm.f32 $0.0e+00;
	s30 =	rddreg [dreg:$0x8]  }
0x36: {  	v0 =	vimm.f32 $0.0e+00;
	v7 =	vimm.f32 $0.0e+00;
	v6 =	vimm.f32 $0.0e+00;
	[tilespmem:s20], [sflag:$0x2] =	stream.linear.gather [hbm4b:s30+s7], $0x1400, $0x38;
	[tilespmem:$0x1C580] =	vst v63  }
0x37: {  	v5 =	vimm.f32 $0.0e+00;
	v4 =	vimm.f32 $0.0e+00;
	v3 =	vimm.f32 $0.0e+00;
	s31 =	rddreg [dreg:$0x9];
	s26 =	simm.s32 $0x0  }
0x38: {  	v9 =	vimm.f32 $0.0e+00;
	v1 =	vimm.f32 $0.0e+00;
	v8 =	vimm.f32 $0.0e+00;
	[tilespmem:s21], [sflag:$0x2] =	stream.linear.gather [hbm4b:s31+s7], $0xA00, $0x38;
	[tilespmem:$0x1C580] =	vst v63  }
.LBB2_2:
0x39: {  	_ =	swait.ge [sflag:s22], $0x1400  }
0x3a: {  	s0 =	simm.s32 $0x90;
	s3 =	simm.s32 $0x120;
	[sflag:s22] =	ssyncset.done $0x0  }
0x3b: {  	s13 =	simm.s32 $0x40;
	s15 =	simm.s32 $0x20;
	[sflag:s22] =	ssyncadd.s32 $0xFFFFEC00  }
0x3c: {  	s30 =	simm.s32 $0x60;
	s29 =	simm.s32 $0xA0;
	_ =	swait.ge [sflag:s22], $0xA00  }
0x3d: {  	s0 =	sand.u32 $0x70, s0;
	s3 =	sand.u32 $0x3F00, s3;
	[sflag:s22] =	ssyncset.done $0x0  }
0x3e: {  	s31 =	simm.s32 $0x30;
	s4 =	sor.u32 s0, s3;
	[sflag:s22] =	ssyncadd.s32 $0xFFFFF600  }
0x3f: {  	s24 =	sand.u32 $0x3F00, s13;
	s28 =	sand.u32 $0x60, s15;
	s12 =	sadd.s32 $0x18900, s4;
	v10 =	vld [tilespmem:s4+$0x18900]  }
0x40: {  	s14 =	simm.s32 $0x50;
	s9 =	sand.u32 $0x3F00, s30;
	s24 =	sor.u32 s28, s24;
	v11 =	vld [tilespmem:s12+$0x80]  }
0x41: {  	s31 =	sand.u32 $0x70, s31;
	s14 =	sand.u32 $0x70, s14;
	s0 =	simm.s32 $0x19D50;
	v14 =	vld [tilespmem:s24+$0x18900]  }
0x42: {  	s28 =	simm.s32 $0xC0;
	s9 =	sor.u32 s31, s9;
	s31 =	sand.u32 $0x3F00, s29;
	v15 =	vld [tilespmem:s0+$0x40]  }
0x43: {  	s30 =	sand.u32 $0x60, s30;
	s28 =	sand.u32 $0x3F00, s28;
	s14 =	sor.u32 s14, s31;
	v16 =	vld [tilespmem:s9+$0x18900]  }
0x44: {  	s28 =	sor.u32 s30, s28;
	v18 =	vld [tilespmem:s14+$0x18900]  }
0x45: {  	s15 =	sadd.s32 $0x18900, s14;
	v19 =	vld [tilespmem:s28+$0x18900]  }
0x46: {  	v24 =	vld [tilespmem:s15+$0x80]  }
0x47: {  	v32 =	vld [tilespmem:s0+$0xFFFFFFE0]  }
0x48: {  	v33 =	vld [tilespmem:s0+$0xFFFFFFF0]  }
0x49: {  	v34 =	vld [tilespmem:s0+$0x0]  }
0x4a: {  	s3 =	simm.s32 $0x0;
	v35 =	vld [tilespmem:s0+$0x10]  }
0x4b: {  	s10 =	simm.s32 $0x100;
	s5 =	sand.u32 $0x1F00, s3;
	v36 =	vld [tilespmem:s0+$0x20]  }
0x4c: {  	s18 =	sadd.s32 $0x18900, s5;
	s4 =	sand.u32 $0x60, s3;
	s9 =	sadd.s32 $0x18900, s9;
	v37 =	vld [tilespmem:s0+$0xFFFFFFB0]  }
0x4d: {  	s10 =	sand.u32 $0x3F00, s10;
	s19 =	sor.u32 s4, s18;
	v22 =	vld [tilespmem:s9+$0x80]  }
0x4e: {  	s10 =	sor.u32 s4, s10;
	v12 =	vld [tilespmem:s19+$0x0]  }
0x4f: {  	s12 =	simm.s32 $0x80;
	s5 =	sor.u32 $0x10, s4;
	v21 =	vld [tilespmem:s10+$0x18900]  }
0x50: {  	s13 =	sand.u32 $0x60, s13;
	s11 =	sand.u32 $0x3F00, s12;
	s18 =	sor.u32 s5, s18;
	v28 =	vld [tilespmem:s19+$0x80]  }
0x51: {  	s16 =	simm.s32 $0x70;
	s11 =	sor.u32 s13, s11;
	v13 =	vld [tilespmem:s18+$0x0]  }
0x52: {  	s13 =	sand.u32 $0x70, s16;
	s16 =	sadd.s32 $0x18900, s28;
	v17 =	vld [tilespmem:s11+$0x18900]  }
0x53: {  	s25 =	sadd.s32 $0x18900, s24;
	s24 =	sadd.s32 $0x18900, s10;
	v25 =	vld [tilespmem:s16+$0x80]  }
0x54: {  	s8 =	simm.s32 $0xE0;
	v27 =	vld [tilespmem:s24+$0x80]  }
0x55: {  	s8 =	sand.u32 $0x3F00, s8;
	s28 =	simm.s32 $0x19DF0;
	v29 =	vld [tilespmem:s18+$0x80]  }
0x56: {  	s8 =	sor.u32 s13, s8;
	v54 =	vld [tilespmem:s28+$0x40]  }
0x57: {  	s11 =	sadd.s32 $0x18900, s11;
	v20 =	vld [tilespmem:s8+$0x18900]  }
0x58: {  	v23 =	vld [tilespmem:s11+$0x80];
	s8 =	sadd.s32 $0x18900, s8  }
0x59: {  	v26 =	vld [tilespmem:s8+$0x80]  }
0x5a: {  	v10 =	vld.idx.msk [tilespmem:v10+s7+$0x0], $0xffff  }
0x5b: {  	v11 =	vld.idx.msk [tilespmem:v11+s7+$0x0], $0xffff  }
0x5c: {  	v31 =	vld.idx.msk [tilespmem:v14+s7+$0x0], $0xffff  }
0x5d: {  	v16 =	vld.idx.msk [tilespmem:v16+s7+$0x0], $0xffff  }
0x5e: {  	s3 =	sand.u32 $0xF80, s3;
	v18 =	vld.idx.msk [tilespmem:v18+s7+$0x0], $0xffff  }
0x5f: {  	s3 =	sor.u32 s5, s3;
	v19 =	vld.idx.msk [tilespmem:v19+s7+$0x0], $0xffff  }
0x60: {  	v14 =	vld [tilespmem:s3+$0x19D00]  }
0x61: {  	v24 =	vld.idx.msk [tilespmem:v24+s7+$0x0], $0xffff  }
0x62: {  	v22 =	vld.idx.msk [tilespmem:v22+s7+$0x0], $0xffff  }
0x63: {  	v30 =	vld.idx.msk [tilespmem:v12+s7+$0x0], $0xffff  }
0x64: {  	v12 =	vld.idx.msk [tilespmem:v21+s7+$0x0], $0xffff  }
0x65: {  	v21 =	vld [tilespmem:s0+$0xFFFFFFD0]  }
0x66: {  	v45 =	vld.idx.msk [tilespmem:v28+s7+$0x0], $0xffff  }
0x67: {  	v17 =	vld.idx.msk [tilespmem:v17+s7+$0x0], $0xffff  }
0x68: {  	v25 =	vld.idx.msk [tilespmem:v25+s7+$0x0], $0xffff  }
0x69: {  	v20 =	vld.idx.msk [tilespmem:v20+s7+$0x0], $0xffff  }
0x6a: {  	v15 =	vmul.u32 $0x9, v15;
	v23 =	vld.idx.msk [tilespmem:v23+s7+$0x0], $0xffff;
	v10 =	vmul.u32 $0x3, v10  }
0x6b: {  	s9 =	simm.s32 $0x180;
	s5 =	simm.s32 $0x260;
	v32 =	vmul.u32 $0x9, v32;
	v16 =	vmul.u32 $0x3, v16;
	v26 =	vld.idx.msk [tilespmem:v26+s7+$0x0], $0xffff  }
0x6c: {  	s18 =	simm.s32 $0xC0;
	v44 =	vmul.u32 $0x9, v34;
	s3 =	sand.u32 $0x3F00, s5;
	v10 =	vadd.s32 v15, v10;
	v15 =	vld [tilespmem:s25+$0x80];
	s25 =	sand.u32 $0x1F80, s12  }
0x6d: {  	s5 =	sand.u32 $0x3F00, s9;
	v18 =	vmul.u32 $0x3, v18;
	v16 =	vadd.s32 v32, v16;
	s12 =	sand.u32 $0x60, s18;
	v10 =	vadd.s32 v11, v10;
	v11 =	vld.idx.msk [tilespmem:v13+s7+$0x0], $0xffff;
	s4 =	sor.u32 s4, s25  }
0x6e: {  	s19 =	simm.s32 $0x200;
	s13 =	simm.s32 $0x1C0;
	v19 =	vmul.u32 $0x3, v19;
	v22 =	vadd.s32 v22, v16;
	v16 =	vmul.u32 $0x9, v35;
	s5 =	sor.u32 s12, s5;
	v13 =	vld [tilespmem:s4+$0x19D00]  }
0x6f: {  	s9 =	sand.u32 $0x3F00, s13;
	s13 =	sand.u32 $0x3F00, s19;
	s25 =	simm.s32 $0xE0;
	v53 =	vld [tilespmem:s5+$0x18900]  }
0x70: {  	v18 =	vadd.s32 v44, v18;
	s4 =	simm.s32 $0x130;
	s19 =	sand.u32 $0x60, s25;
	s5 =	sadd.s32 $0x18900, s5;
	v19 =	vadd.s32 v16, v19;
	v16 =	vld.idx.msk [tilespmem:v29+s7+$0x0], $0xffff  }
0x71: {  	v18 =	vadd.s32 v24, v18;
	s0 =	sand.u32 $0x70, s4;
	s9 =	sor.u32 s19, s9;
	v61 =	vld [tilespmem:s5+$0x80]  }
0x72: {  	s0 =	sor.u32 s0, s3;
	v56 =	vld [tilespmem:s9+$0x18900]  }
0x73: {  	v48 =	vld [tilespmem:s0+$0x18900]  }
0x74: {  	s24 =	simm.s32 $0xD0;
	v43 =	vmul.u32 $0x9, v33;
	v17 =	vmul.u32 $0x3, v17;
	v10 =	vld.idx.msk [tilespmem:v10+s17+$0x0], $0xffff  }
0x75: {  	s10 =	simm.s32 $0x1A0;
	s8 =	simm.s32 $0x140;
	s18 =	sand.u32 $0x70, s24;
	v22 =	vld.idx.msk [tilespmem:v22+s17+$0x0], $0xffff  }
0x76: {  	v47 =	vmul.u32 $0x9, v37;
	v46 =	vmul.u32 $0x3, v30;
	v17 =	vadd.s32 v43, v17;
	s3 =	sand.u32 $0x1F00, s8;
	s8 =	sand.u32 $0x3F00, s10;
	s14 =	sadd.s32 $0x18900, s0;
	v18 =	vld.idx.msk [tilespmem:v18+s17+$0x0], $0xffff  }
0x77: {  	s15 =	simm.s32 $0x1E0;
	v20 =	vmul.u32 $0x3, v20;
	v17 =	vadd.s32 v23, v17;
	v23 =	vmul.u32 $0x9, v36;
	s8 =	sor.u32 s18, s8;
	v49 =	vld [tilespmem:s14+$0x80]  }
0x78: {  	s10 =	sand.u32 $0x3F00, s15;
	v55 =	vld [tilespmem:s8+$0x18900]  }
0x79: {  	s15 =	simm.s32 $0xF0;
	s16 =	sadd.s32 $0x18900, s3;
	s0 =	sand.u32 $0x60, s29;
	v20 =	vadd.s32 v23, v20;
	v23 =	vadd.s32 v47, v46;
	v46 =	vld [tilespmem:s28+$0xFFFFFFD0]  }
0x7a: {  	s12 =	simm.s32 $0x240;
	s18 =	sand.u32 $0x70, s15;
	s4 =	sor.u32 s0, s16;
	v47 =	vld [tilespmem:s28+$0xFFFFFFE0]  }
0x7b: {  	s12 =	sand.u32 $0x3F00, s12;
	s10 =	sor.u32 s18, s10;
	v50 =	vld [tilespmem:s4+$0x0]  }
0x7c: {  	s12 =	sor.u32 s0, s12;
	v57 =	vld [tilespmem:s10+$0x18900]  }
0x7d: {  	s8 =	sadd.s32 $0x18900, s8;
	v60 =	vld [tilespmem:s12+$0x18900]  }
0x7e: {  	v62 =	vld [tilespmem:s8+$0x80]  }
0x7f: {  	v41 =	vld [tilespmem:s4+$0x80]  }
0x80: {  	s3 =	sor.u32 $0x10, s0;
	v23 =	vadd.s32 v45, v23;
	v45 =	vld [tilespmem:s28+$0xFFFFFFB0]  }
0x81: {  	s11 =	sor.u32 s3, s16;
	v15 =	vld.idx.msk [tilespmem:v15+s7+$0x0], $0xffff  }
0x82: {  	s25 =	simm.s32 $0x110;
	s18 =	sadd.s32 $0x18900, s10;
	v51 =	vld [tilespmem:s11+$0x0]  }
0x83: {  	v19 =	vadd.s32 v25, v19;
	s15 =	sand.u32 $0x70, s25;
	s25 =	sadd.s32 $0x18900, s12;
	v52 =	vld [tilespmem:s18+$0x80]  }
0x84: {  	v14 =	vmul.u32 $0x9, v14;
	v11 =	vmul.u32 $0x3, v11;
	v40 =	vld [tilespmem:s25+$0x80]  }
0x85: {  	v42 =	vld [tilespmem:s11+$0x80]  }
0x86: {  	s14 =	simm.s32 $0x220;
	v11 =	vadd.s32 v14, v11;
	v14 =	vld [tilespmem:s28+$0x0]  }
0x87: {  	s14 =	sand.u32 $0x3F00, s14;
	v17 =	vld.idx.msk [tilespmem:v17+s17+$0x0], $0xffff  }
0x88: {  	s16 =	simm.s32 $0x100;
	s14 =	sor.u32 s15, s14;
	v19 =	vld.idx.msk [tilespmem:v19+s17+$0x0], $0xffff  }
0x89: {  	s8 =	sand.u32 $0xF80, s29;
	s24 =	sand.u32 $0x60, s16;
	s16 =	sadd.s32 $0x18900, s9;
	v59 =	vld [tilespmem:s14+$0x18900]  }
0x8a: {  	v12 =	vmul.u32 $0x3, v12;
	v13 =	vmul.u32 $0x9, v13;
	s3 =	sor.u32 s3, s8;
	v63 =	vld [tilespmem:s16+$0x80]  }
0x8b: {  	v43 =	vld [tilespmem:s3+$0x19D00]  }
0x8c: {  	s13 =	sor.u32 s24, s13;
	v12 =	vadd.s32 v13, v12;
	v13 =	vld [tilespmem:s28+$0x10]  }
0x8d: {  	v20 =	vadd.s32 v26, v20;
	s24 =	sadd.s32 $0x18900, s14;
	v58 =	vld [tilespmem:s13+$0x18900]  }
0x8e: {  	s9 =	simm.s32 $0x120;
	v39 =	vld [tilespmem:s24+$0x80]  }
0x8f: {  	s10 =	sand.u32 $0x1F80, s9;
	s19 =	sadd.s32 $0x18900, s13;
	v28 =	vld.idx.msk [tilespmem:v53+s7+$0x0], $0xffff  }
0x90: {  	s0 =	sor.u32 s0, s10;
	v38 =	vld [tilespmem:s19+$0x80]  }
0x91: {  	v44 =	vld [tilespmem:s0+$0x19D00]  }
0x92: {  	v20 =	vld.idx.msk [tilespmem:v20+s17+$0x0], $0xffff  }
0x93: {  	v31 =	vmul.u32 $0x3, v31;
	v21 =	vmul.u32 $0x9, v21;
	v23 =	vld.idx.msk [tilespmem:v23+s17+$0x0], $0xffff  }
0x94: {  	v24 =	vld.idx.msk [tilespmem:v48+s7+$0x0], $0xffff  }
0x95: {  	v21 =	vadd.s32 v21, v31;
	v31 =	vld.idx.msk [tilespmem:v56+s7+$0x0], $0xffff  }
0x96: {  	v21 =	vadd.s32 v15, v21;
	v15 =	vld.idx.msk [tilespmem:v27+s7+$0x0], $0xffff  }
0x97: {  	v25 =	vld.idx.msk [tilespmem:v49+s7+$0x0], $0xffff  }
0x98: {  	v48 =	vld [tilespmem:s28+$0xFFFFFFF0]  }
0x99: {  	v29 =	vmul.u32 $0x9, v54;
	v30 =	vld.idx.msk [tilespmem:v55+s7+$0x0], $0xffff;
	v24 =	vmul.u32 $0x3, v24  }
0x9a: {  	v4 =	vadd.f32 v17, v4;
	v17 =	vld [tilespmem:s28+$0x20]  }
0x9b: {  	v6 =	vadd.f32 v19, v6;
	v19 =	vld.idx.msk [tilespmem:v61+s7+$0x0], $0xffff;
	v24 =	vadd.s32 v29, v24  }
0x9c: {  	v26 =	vld.idx.msk [tilespmem:v50+s7+$0x0], $0xffff;
	v24 =	vadd.s32 v25, v24  }
0x9d: {  	v32 =	vld.idx.msk [tilespmem:v57+s7+$0x0], $0xffff  }
0x9e: {  	v21 =	vld.idx.msk [tilespmem:v21+s17+$0x0], $0xffff  }
0x9f: {  	v35 =	vld.idx.msk [tilespmem:v60+s7+$0x0], $0xffff  }
0xa0: {  	v10 =	vadd.f32 v10, v2;
	v27 =	vld.idx.msk [tilespmem:v51+s7+$0x0], $0xffff  }
0xa1: {  	v11 =	vadd.s32 v16, v11;
	v3 =	vadd.f32 v22, v3;
	v5 =	vadd.f32 v18, v5;
	v24 =	vld.idx.msk [tilespmem:v24+s17+$0x0], $0xffff  }
0xa2: {  	v18 =	vmul.u32 $0x9, v46;
	v22 =	vmul.u32 $0x9, v47;
	v14 =	vmul.u32 $0x9, v14;
	v53 =	vld.idx.msk [tilespmem:v52+s7+$0x0], $0xffff  }
0xa3: {  	v13 =	vmul.u32 $0x9, v13;
	v2 =	vadd.f32 v21, v9;
	v9 =	vadd.f32 v20, v7;
	v20 =	vld.idx.msk [tilespmem:v62+s7+$0x0], $0xffff  }
0xa4: {  	v61 =	vmul.u32 $0x9, v44;
	v34 =	vld.idx.msk [tilespmem:v59+s7+$0x0], $0xffff;
	v12 =	vadd.s32 v15, v12;
	v15 =	vmul.u32 $0x3, v28  }
0xa5: {  	v33 =	vld.idx.msk [tilespmem:v58+s7+$0x0], $0xffff;
	v58 =	vmul.u32 $0x9, v43;
	v17 =	vmul.u32 $0x9, v17;
	v21 =	vmul.u32 $0x3, v30  }
0xa6: {  	v7 =	vadd.f32 v23, v8;
	v8 =	vadd.f32 v24, v10;
	v10 =	vadd.s32 v18, v15;
	v18 =	vld.idx.msk [tilespmem:v63+s7+$0x0], $0xffff  }
0xa7: {  	v60 =	vld.idx.msk [tilespmem:v39+s7+$0x0], $0xffff;
	v54 =	vmul.u32 $0x3, v32;
	v16 =	vmul.u32 $0x3, v27;
	v22 =	vadd.s32 v22, v21  }
0xa8: {  	v56 =	vld.idx.msk [tilespmem:v38+s7+$0x0], $0xffff;
	v23 =	vmul.u32 $0x3, v31;
	v63 =	vadd.s32 v20, v22;
	v20 =	vmul.u32 $0x9, v48  }
0xa9: {  	s30 =	simm.s32 $0x3C0;
	s12 =	simm.s32 $0x2C0;
	s29 =	simm.s32 $0x140;
	v59 =	vmul.u32 $0x3, v35;
	v62 =	vld.idx.msk [tilespmem:v40+s7+$0x0], $0xffff;
	v21 =	vadd.s32 v58, v16;
	v15 =	vmul.u32 $0x3, v26  }
0xaa: {  	s11 =	simm.s32 $0x280;
	s15 =	simm.s32 $0x300;
	s18 =	simm.s32 $0x340;
	v16 =	vld.idx.msk [tilespmem:v41+s7+$0x0], $0xffff;
	v19 =	vadd.s32 v19, v10;
	v10 =	vmul.u32 $0x9, v45;
	v20 =	vadd.s32 v20, v23  }
0xab: {  	s25 =	simm.s32 $0x380;
	s12 =	sand.u32 $0x3F00, s12;
	s14 =	simm.s32 $0x2E0;
	v14 =	vadd.s32 v14, v54;
	v55 =	vmul.u32 $0x3, v33;
	v22 =	vld.idx.msk [tilespmem:v42+s7+$0x0], $0xffff;
	v23 =	vadd.s32 v18, v20  }
0xac: {  	s16 =	simm.s32 $0x320;
	s4 =	sand.u32 $0x3F00, s18;
	s31 =	sand.u32 $0x3F00, s25;
	v57 =	vmul.u32 $0x3, v34;
	v15 =	vadd.s32 v10, v15;
	v10 =	vld.idx.msk [tilespmem:v11+s17+$0x0], $0xffff;
	v20 =	vadd.s32 v53, v14  }
0xad: {  	s18 =	simm.s32 $0x1D0;
	s5 =	sand.u32 $0x3F00, s14;
	s0 =	sand.u32 $0x1F00, s11;
	v13 =	vadd.s32 v13, v55;
	v11 =	vld.idx.msk [tilespmem:v12+s17+$0x0], $0xffff  }
0xae: {  	s24 =	sand.u32 $0x3F00, s15;
	s19 =	simm.s32 $0x360;
	s13 =	sadd.s32 $0x18900, s0;
	v30 =	vadd.s32 v61, v59;
	v17 =	vadd.s32 v17, v57;
	v18 =	vadd.s32 v56, v13;
	v13 =	vld.idx.msk [tilespmem:v63+s17+$0x0], $0xffff  }
0xaf: {  	s0 =	sand.u32 $0x3F00, s16;
	s3 =	sand.u32 $0x3F00, s19;
	s19 =	simm.s32 $0x3A0;
	v17 =	vadd.s32 v60, v17;
	v12 =	vld.idx.msk [tilespmem:v19+s17+$0x0], $0xffff;
	v19 =	vadd.s32 v62, v30  }
.LBB2_3:
0xb0: {  	p1 =	sne.s32 s30, $0x12C0;
	s8 =	sand.u32 $0x70, s18;
	s9 =	sand.u32 $0x3F00, s19;
	v15 =	vadd.s32 v16, v15;
	v16 =	vld.idx.msk [tilespmem:v23+s17+$0x0], $0xffff  }
0xb1: {  	s10 =	sadd.s32 $0x20, s29;
	s11 =	sadd.s32 $0x30, s29;
	v14 =	vadd.s32 v22, v21;
	s8 =	sor.u32 s8, s9;
	v20 =	vld.idx.msk [tilespmem:v20+s17+$0x0], $0xffff  }
0xb2: {  	s14 =	sadd.s32 $0x50, s29;
	s18 =	sadd.s32 $0x60, s29;
	s9 =	sadd.s32 $0x40, s29;
	v1 =	vadd.f32 v10, v1;
	v21 =	vld [tilespmem:s8+$0x18900]  }
0xb3: {  	s19 =	sand.u32 $0x60, s29;
	s15 =	sadd.s32 $0x70, s29;
	s10 =	sand.u32 $0x60, s10;
	v0 =	vadd.f32 v11, v0;
	v10 =	vld.idx.msk [tilespmem:v18+s17+$0x0], $0xffff  }
0xb4: {  	s16 =	sor.u32 $0x10, s19;
	s11 =	sand.u32 $0x70, s11;
	s8 =	sadd.s32 $0x18900, s8;
	v2 =	vadd.f32 v12, v2;
	v11 =	vld.idx.msk [tilespmem:v17+s17+$0x0], $0xffff  }
0xb5: {  	s14 =	sand.u32 $0x70, s14;
	s25 =	sand.u32 $0x60, s18;
	s9 =	sand.u32 $0x60, s9;
	v3 =	vadd.f32 v13, v3;
	v12 =	vld [tilespmem:s8+$0x80]  }
0xb6: {  	s18 =	sor.u32 s19, s13;
	s13 =	sor.u32 s16, s13;
	s8 =	sand.u32 $0x70, s15;
	v4 =	vadd.f32 v16, v4;
	v13 =	vld.idx.msk [tilespmem:v15+s17+$0x0], $0xffff  }
0xb7: {  	s10 =	sor.u32 s10, s12;
	s5 =	sor.u32 s11, s5;
	s9 =	sor.u32 s9, s24;
	v5 =	vadd.f32 v20, v5;
	v15 =	vld [tilespmem:s18+$0x0]  }
0xb8: {  	s0 =	sor.u32 s14, s0;
	s4 =	sor.u32 s25, s4;
	s3 =	sor.u32 s8, s3;
	v16 =	vld [tilespmem:s13+$0x0]  }
0xb9: {  	s11 =	sor.u32 s19, s31;
	s8 =	sadd.s32 $0x18900, s10;
	v6 =	vadd.f32 v10, v6;
	v17 =	vld [tilespmem:s10+$0x18900];
	s10 =	sadd.s32 $0x18900, s5  }
0xba: {  	s28 =	sadd.s32 $0xA0, s28;
	s14 =	sadd.s32 $0x18900, s0;
	s12 =	sadd.s32 $0x18900, s9;
	v9 =	vadd.f32 v11, v9;
	v10 =	vld.idx.msk [tilespmem:v21+s7+$0x0], $0xffff  }
0xbb: {  	s25 =	sadd.s32 $0x18900, s11;
	s15 =	sadd.s32 $0x18900, s4;
	s24 =	sadd.s32 $0x18900, s3;
	v11 =	vld [tilespmem:s28+$0x40]  }
0xbc: {  	s31 =	sand.u32 $0xF80, s29;
	v7 =	vadd.f32 v13, v7;
	v18 =	vld [tilespmem:s5+$0x18900];
	s5 =	sadd.s32 $0x80, s29  }
0xbd: {  	s16 =	sor.u32 s16, s31;
	s5 =	sand.u32 $0x1F80, s5;
	v12 =	vld.idx.msk [tilespmem:v12+s7+$0x0], $0xffff  }
0xbe: {  	v13 =	vld [tilespmem:s9+$0x18900];
	s5 =	sor.u32 s19, s5  }
0xbf: {  	v20 =	vld [tilespmem:s0+$0x18900]  }
0xc0: {  	v10 =	vmul.u32 $0x3, v10;
	v21 =	vld [tilespmem:s4+$0x18900];
	v11 =	vmul.u32 $0x9, v11  }
0xc1: {  	v22 =	vld [tilespmem:s3+$0x18900]  }
0xc2: {  	v23 =	vld [tilespmem:s11+$0x18900];
	v10 =	vadd.s32 v11, v10  }
0xc3: {  	v11 =	vld [tilespmem:s8+$0x80];
	v10 =	vadd.s32 v12, v10  }
0xc4: {  	v12 =	vld [tilespmem:s10+$0x80]  }
0xc5: {  	v24 =	vld [tilespmem:s12+$0x80]  }
0xc6: {  	v25 =	vld [tilespmem:s14+$0x80]  }
0xc7: {  	v26 =	vld [tilespmem:s15+$0x80]  }
0xc8: {  	v10 =	vld.idx.msk [tilespmem:v10+s17+$0x0], $0xffff  }
0xc9: {  	v27 =	vld [tilespmem:s24+$0x80]  }
0xca: {  	v28 =	vld [tilespmem:s25+$0x80]  }
0xcb: {  	v29 =	vld [tilespmem:s18+$0x80]  }
0xcc: {  	v30 =	vld [tilespmem:s13+$0x80]  }
0xcd: {  	v15 =	vld.idx.msk [tilespmem:v15+s7+$0x0], $0xffff  }
0xce: {  	v8 =	vadd.f32 v10, v8;
	v16 =	vld.idx.msk [tilespmem:v16+s7+$0x0], $0xffff  }
0xcf: {  	v10 =	vld.idx.msk [tilespmem:v17+s7+$0x0], $0xffff  }
0xd0: {  	v17 =	vld.idx.msk [tilespmem:v18+s7+$0x0], $0xffff  }
0xd1: {  	v13 =	vld.idx.msk [tilespmem:v13+s7+$0x0], $0xffff  }
0xd2: {  	v18 =	vld.idx.msk [tilespmem:v20+s7+$0x0], $0xffff  }
0xd3: {  	v15 =	vmul.u32 $0x3, v15;
	v20 =	vld.idx.msk [tilespmem:v21+s7+$0x0], $0xffff  }
0xd4: {  	v16 =	vmul.u32 $0x3, v16;
	v21 =	vld.idx.msk [tilespmem:v22+s7+$0x0], $0xffff  }
0xd5: {  	v10 =	vmul.u32 $0x3, v10;
	v22 =	vld.idx.msk [tilespmem:v23+s7+$0x0], $0xffff  }
0xd6: {  	v17 =	vmul.u32 $0x3, v17;
	v23 =	vld [tilespmem:s16+$0x19D00]  }
0xd7: {  	v13 =	vmul.u32 $0x3, v13;
	v31 =	vld [tilespmem:s5+$0x19D00]  }
0xd8: {  	v18 =	vmul.u32 $0x3, v18;
	v32 =	vld [tilespmem:s28+$0xFFFFFFB0]  }
0xd9: {  	v20 =	vmul.u32 $0x3, v20;
	v33 =	vld [tilespmem:s28+$0xFFFFFFD0]  }
0xda: {  	v35 =	vmul.u32 $0x3, v21;
	v34 =	vld [tilespmem:s28+$0xFFFFFFE0]  }
0xdb: {  	v22 =	vmul.u32 $0x3, v22;
	v21 =	vmul.u32 $0x9, v23;
	v23 =	vld [tilespmem:s28+$0xFFFFFFF0]  }
0xdc: {  	v36 =	vld [tilespmem:s28+$0x0];
	v31 =	vmul.u32 $0x9, v31  }
0xdd: {  	v32 =	vmul.u32 $0x9, v32;
	v21 =	vadd.s32 v21, v16;
	v16 =	vld [tilespmem:s28+$0x10]  }
0xde: {  	v33 =	vmul.u32 $0x9, v33;
	v37 =	vld [tilespmem:s28+$0x20];
	v31 =	vadd.s32 v31, v22  }
0xdf: {  	v15 =	vadd.s32 v32, v15;
	v11 =	vld.idx.msk [tilespmem:v11+s7+$0x0], $0xffff;
	v22 =	vmul.u32 $0x9, v34  }
0xe0: {  	v10 =	vadd.s32 v33, v10;
	v12 =	vld.idx.msk [tilespmem:v12+s7+$0x0], $0xffff;
	v23 =	vmul.u32 $0x9, v23  }
0xe1: {  	v17 =	vadd.s32 v22, v17;
	v24 =	vld.idx.msk [tilespmem:v24+s7+$0x0], $0xffff;
	v22 =	vmul.u32 $0x9, v36  }
0xe2: {  	v13 =	vadd.s32 v23, v13;
	v25 =	vld.idx.msk [tilespmem:v25+s7+$0x0], $0xffff;
	v16 =	vmul.u32 $0x9, v16  }
0xe3: {  	v18 =	vadd.s32 v22, v18;
	v26 =	vld.idx.msk [tilespmem:v26+s7+$0x0], $0xffff;
	v22 =	vmul.u32 $0x9, v37  }
0xe4: {  	v32 =	vadd.s32 v16, v20;
	v27 =	vld.idx.msk [tilespmem:v27+s7+$0x0], $0xffff  }
0xe5: {  	s9 =	sadd.s32 $0xA0, s30;
	s0 =	sand.u32 $0x1F00, s30;
	s3 =	sadd.s32 $0x40, s30;
	v33 =	vadd.s32 v11, v10;
	v34 =	vadd.s32 v22, v35;
	v28 =	vld.idx.msk [tilespmem:v28+s7+$0x0], $0xffff  }
0xe6: {  	s4 =	sadd.s32 $0x60, s30;
	s11 =	sadd.s32 $0xE0, s30;
	s8 =	sadd.s32 $0x80, s30;
	v16 =	vld.idx.msk [tilespmem:v29+s7+$0x0], $0xffff;
	v29 =	vadd.s32 v12, v17  }
.Ltmp2:
0xe7: {  	s10 =	sadd.s32 $0xC0, s30;
	s14 =	sadd.s32 $0x100, s30;
	v23 =	vadd.s32 v24, v13;
	v22 =	vld.idx.msk [tilespmem:v30+s7+$0x0], $0xffff;
	(pc) =	sbr.rel @p1 .LBB2_3-.Ltmp2, $4  }
0xe8: {  	s12 =	sand.u32 $0x3F00, s3;
	s13 =	sadd.s32 $0x18900, s0;
	s5 =	sand.u32 $0x3F00, s4;
	v20 =	vadd.s32 v25, v18;
	v10 =	vld.idx.msk [tilespmem:v14+s17+$0x0], $0xffff  }
0xe9: {  	s24 =	sand.u32 $0x3F00, s8;
	s0 =	sand.u32 $0x3F00, s9;
	s4 =	sand.u32 $0x3F00, s10;
	v18 =	vadd.s32 v26, v32;
	v11 =	vld.idx.msk [tilespmem:v19+s17+$0x0], $0xffff  }
0xea: {  	s29 =	sadd.s32 $0xA0, s29;
	s3 =	sand.u32 $0x3F00, s11;
	s31 =	sand.u32 $0x3F00, s14;
	v17 =	vadd.s32 v27, v34;
	v12 =	vld.idx.msk [tilespmem:v33+s17+$0x0], $0xffff  }
0xeb: {  	s19 =	sadd.s32 $0x120, s30;
	s30 =	sadd.s32 $0x140, s30;
	s18 =	sadd.s32 $0x90, s29;
	v19 =	vadd.s32 v28, v31;
	v13 =	vld.idx.msk [tilespmem:v29+s17+$0x0], $0xffff  }
0xec: {  	_ =	sdelay $0x3  }
0xed: {  	v14 =	vld.idx.msk [tilespmem:v23+s17+$0x0], $0xffff  }
0xee: {  	v23 =	vadd.s32 v16, v15;
	v15 =	vld.idx.msk [tilespmem:v20+s17+$0x0], $0xffff  }
0xef: {  	v16 =	vld.idx.msk [tilespmem:v18+s17+$0x0], $0xffff  }
0xf0: {  	s8 =	sand.u32 $0x70, s18;
	s9 =	sand.u32 $0x3F00, s19;
	v17 =	vld.idx.msk [tilespmem:v17+s17+$0x0], $0xffff  }
0xf1: {  	s18 =	sand.u32 $0x60, s29;
	v19 =	vld.idx.msk [tilespmem:v19+s17+$0x0], $0xffff;
	s8 =	sor.u32 s8, s9  }
0xf2: {  	s9 =	sor.u32 s18, s13;
	v20 =	vld [tilespmem:s8+$0x18900]  }
0xf3: {  	s11 =	sadd.s32 $0x30, s29;
	s30 =	sor.u32 $0x10, s18;
	s8 =	sadd.s32 $0x18900, s8;
	v39 =	vld [tilespmem:s9+$0x80]  }
0xf4: {  	s11 =	sand.u32 $0x70, s11;
	s10 =	sor.u32 s30, s13;
	v24 =	vld [tilespmem:s8+$0x80]  }
0xf5: {  	s15 =	sadd.s32 $0x40, s29;
	s5 =	sor.u32 s11, s5;
	v25 =	vld [tilespmem:s10+$0x0]  }
0xf6: {  	s16 =	sadd.s32 $0x50, s29;
	s13 =	sand.u32 $0x60, s15;
	v28 =	vld [tilespmem:s5+$0x18900]  }
0xf7: {  	s11 =	sand.u32 $0x70, s16;
	s13 =	sor.u32 s13, s24;
	v40 =	vld [tilespmem:s10+$0x80]  }
0xf8: {  	s0 =	sor.u32 s11, s0;
	v29 =	vld [tilespmem:s13+$0x18900]  }
0xf9: {  	s24 =	sor.u32 s18, s31;
	v30 =	vld [tilespmem:s0+$0x18900]  }
0xfa: {  	s5 =	sadd.s32 $0x18900, s5;
	v33 =	vld [tilespmem:s24+$0x18900]  }
0xfb: {  	s14 =	sadd.s32 $0x20, s29;
	v53 =	vld [tilespmem:s5+$0x80]  }
0xfc: {  	s8 =	sand.u32 $0x60, s14;
	v18 =	vld.idx.msk [tilespmem:v23+s17+$0x0], $0xffff  }
0xfd: {  	s19 =	sadd.s32 $0x70, s29;
	s8 =	sor.u32 s8, s12;
	v23 =	vld [tilespmem:s9+$0x0]  }
0xfe: {  	s11 =	sand.u32 $0x70, s19;
	s12 =	sadd.s32 $0xA0, s28;
	v26 =	vld [tilespmem:s8+$0x18900]  }
0xff: {  	s3 =	sor.u32 s11, s3;
	v27 =	vld [tilespmem:s12+$0x40]  }
0x100: {  	s25 =	sadd.s32 $0x18900, s13;
	v32 =	vld [tilespmem:s3+$0x18900]  }
0x101: {  	s0 =	sadd.s32 $0x18900, s0;
	v34 =	vld [tilespmem:s25+$0x80]  }
0x102: {  	v35 =	vld [tilespmem:s0+$0x80]  }
0x103: {  	v43 =	vld [tilespmem:s12+$0xFFFFFFB0]  }
0x104: {  	v44 =	vld [tilespmem:s12+$0xFFFFFFD0]  }
0x105: {  	v21 =	vadd.s32 v22, v21;
	v45 =	vld [tilespmem:s12+$0xFFFFFFE0]  }
0x106: {  	v46 =	vld [tilespmem:s12+$0xFFFFFFF0]  }
0x107: {  	v47 =	vld [tilespmem:s12+$0x0]  }
0x108: {  	s14 =	sadd.s32 $0x60, s29;
	v48 =	vld [tilespmem:s12+$0x10]  }
0x109: {  	s14 =	sand.u32 $0x60, s14;
	v49 =	vld [tilespmem:s12+$0x20]  }
0x10a: {  	s4 =	sor.u32 s14, s4;
	v21 =	vld.idx.msk [tilespmem:v21+s17+$0x0], $0xffff  }
0x10b: {  	s8 =	sadd.s32 $0x18900, s8;
	v31 =	vld [tilespmem:s4+$0x18900]  }
0x10c: {  	s13 =	sadd.s32 $0x18900, s3;
	v52 =	vld [tilespmem:s8+$0x80]  }
0x10d: {  	s15 =	sand.u32 $0xF80, s29;
	s14 =	sadd.s32 $0x18900, s24;
	v37 =	vld [tilespmem:s13+$0x80]  }
0x10e: {  	s16 =	sadd.s32 $0x80, s29;
	s0 =	sor.u32 s30, s15;
	v38 =	vld [tilespmem:s14+$0x80]  }
0x10f: {  	s3 =	sand.u32 $0x1F80, s16;
	s4 =	sadd.s32 $0x18900, s4;
	v41 =	vld [tilespmem:s0+$0x19D00]  }
0x110: {  	s3 =	sor.u32 s18, s3;
	v36 =	vld [tilespmem:s4+$0x80]  }
0x111: {  	v42 =	vld [tilespmem:s3+$0x19D00]  }
0x112: {  	v20 =	vld.idx.msk [tilespmem:v20+s7+$0x0], $0xffff  }
0x113: {  	v59 =	vmul.u32 $0x9, v45;
	v45 =	vld.idx.msk [tilespmem:v39+s7+$0x0], $0xffff  }
0x114: {  	v24 =	vld.idx.msk [tilespmem:v24+s7+$0x0], $0xffff  }
0x115: {  	v25 =	vld.idx.msk [tilespmem:v25+s7+$0x0], $0xffff  }
0x116: {  	v28 =	vld.idx.msk [tilespmem:v28+s7+$0x0], $0xffff  }
0x117: {  	v29 =	vld.idx.msk [tilespmem:v29+s7+$0x0], $0xffff  }
0x118: {  	v30 =	vld.idx.msk [tilespmem:v30+s7+$0x0], $0xffff  }
0x119: {  	v23 =	vld.idx.msk [tilespmem:v23+s7+$0x0], $0xffff  }
0x11a: {  	v32 =	vld.idx.msk [tilespmem:v32+s7+$0x0], $0xffff  }
0x11b: {  	v27 =	vmul.u32 $0x9, v27;
	v58 =	vmul.u32 $0x9, v44;
	v26 =	vld.idx.msk [tilespmem:v26+s7+$0x0], $0xffff  }
0x11c: {  	v60 =	vmul.u32 $0x9, v46;
	v61 =	vmul.u32 $0x9, v47;
	v57 =	vld.idx.msk [tilespmem:v34+s7+$0x0], $0xffff;
	v20 =	vmul.u32 $0x3, v20  }
0x11d: {  	v63 =	vmul.u32 $0x9, v48;
	v47 =	vmul.u32 $0x9, v49;
	v49 =	vmul.u32 $0x9, v43;
	v37 =	vld.idx.msk [tilespmem:v37+s7+$0x0], $0xffff  }
0x11e: {  	v31 =	vld.idx.msk [tilespmem:v31+s7+$0x0], $0xffff;
	v54 =	vmul.u32 $0x3, v25;
	v56 =	vmul.u32 $0x3, v28;
	v20 =	vadd.s32 v27, v20  }
0x11f: {  	v27 =	vld.idx.msk [tilespmem:v52+s7+$0x0], $0xffff;
	v29 =	vmul.u32 $0x3, v29;
	v30 =	vmul.u32 $0x3, v30;
	v32 =	vmul.u32 $0x3, v32  }
0x120: {  	v33 =	vld.idx.msk [tilespmem:v33+s7+$0x0], $0xffff;
	v20 =	vadd.s32 v24, v20;
	v22 =	vmul.u32 $0x3, v23;
	v55 =	vmul.u32 $0x3, v26  }
0x121: {  	v36 =	vld.idx.msk [tilespmem:v36+s7+$0x0], $0xffff;
	v29 =	vadd.s32 v60, v29;
	v46 =	vadd.s32 v61, v30;
	v30 =	vadd.s32 v47, v32  }
0x122: {  	v23 =	vld.idx.msk [tilespmem:v53+s7+$0x0], $0xffff;
	v28 =	vadd.s32 v57, v29;
	v29 =	vadd.s32 v49, v22;
	v30 =	vadd.s32 v37, v30  }
0x123: {  	v35 =	vld.idx.msk [tilespmem:v35+s7+$0x0], $0xffff;
	v31 =	vmul.u32 $0x3, v31;
	v25 =	vadd.s32 v58, v55;
	v29 =	vadd.s32 v45, v29  }
0x124: {  	v48 =	vld.idx.msk [tilespmem:v40+s7+$0x0], $0xffff;
	v25 =	vadd.s32 v27, v25  }
0x125: {  	v62 =	vld.idx.msk [tilespmem:v38+s7+$0x0], $0xffff;
	v31 =	vadd.s32 v63, v31  }
0x126: {  	v41 =	vmul.u32 $0x9, v41;
	v26 =	vadd.s32 v59, v56;
	v31 =	vadd.s32 v36, v31;
	v20 =	vld.idx.msk [tilespmem:v20+s17+$0x0], $0xffff  }
0x127: {  	p1 =	seq.s32 s26, $0x26;
	v50 =	vmul.u32 $0x9, v42;
	v33 =	vmul.u32 $0x3, v33;
	v23 =	vadd.s32 v23, v26;
	v30 =	vld.idx.msk [tilespmem:v30+s17+$0x0], $0xffff  }
0x128: {  	s0 =	sshll.u32 @!p1 s26, $0x1;
	v24 =	vadd.s32 v41, v54;
	v26 =	vadd.s32 v35, v46;
	v29 =	vld.idx.msk [tilespmem:v29+s17+$0x0], $0xffff  }
0x129: {  	s0 =	sadd.s32 @!p1 s6, s0;
	v24 =	vadd.s32 v48, v24;
	v32 =	vadd.s32 v50, v33;
	v22 =	vld.idx.msk [tilespmem:v25+s17+$0x0], $0xffff  }
0x12a: {  	s0 =	smul.u32 @!p1 $0xA00, s0;
	v32 =	vadd.s32 v62, v32;
	v25 =	vld.idx.msk [tilespmem:v28+s17+$0x0], $0xffff  }
0x12b: {  	v28 =	vld.idx.msk [tilespmem:v31+s17+$0x0], $0xffff  }
0x12c: {  	s19 =	simm.s32 $0x120;
	s29 =	simm.s32 $0xA0;
	s0 =	sadd.s32 @!p1 $0x1400, s0;
	v23 =	vld.idx.msk [tilespmem:v23+s17+$0x0], $0xffff  }
0x12d: {  	s5 =	simm.s32 @!p1 $0x18900;
	s11 =	simm.s32 $0x60;
	s3 =	sshrl.u32 @!p1 s0, $0x2;
	v27 =	vld.idx.msk [tilespmem:v26+s17+$0x0], $0xffff  }
0x12e: {  	s4 =	simm.s32 @!p1 $0x0;
	s0 =	sshrl.u32 @!p1 s0, $0x3;
	s3 =	sadd.s32 @!p1 s1, s3;
	v26 =	vld.idx.msk [tilespmem:v24+s17+$0x0], $0xffff  }
0x12f: {  	v24 =	vld.idx.msk [tilespmem:v32+s17+$0x0], $0xffff;
	[tilespmem:s5], [sflag:$0x1] =	stream.linear.gather @!p1 [hbm4b:s3+s4], $0x1400, $0x38  }
0x130: {  	s25 =	simm.s32 $0x40;
	s0 =	sadd.s32 @!p1 s2, s0;
	s3 =	simm.s32 @!p1 $0x19D00  }
0x131: {  	[tilespmem:s3], [sflag:$0x1] =	stream.linear.gather @!p1 [hbm4b:s0+s4], $0xA00, $0x38;
	[tilespmem:$0x1C580] =	vst v63  }
0x132: {  	s18 =	simm.s32 $0x90;
	s14 =	simm.s32 $0x20;
	_ =	swait.ge [sflag:s23], $0x1400  }
0x133: {  	s15 =	sand.u32 $0x3F00, s25;
	s8 =	sand.u32 $0x60, s25;
	[sflag:s23] =	ssyncset.done $0x0  }
0x134: {  	s0 =	sand.u32 $0x70, s18;
	s3 =	sand.u32 $0x3F00, s19;
	[sflag:s23] =	ssyncadd.s32 $0xFFFFEC00  }
0x135: {  	s0 =	sor.u32 s0, s3;
	s3 =	simm.s32 $0x0;
	_ =	swait.ge [sflag:s23], $0xA00  }
0x136: {  	s25 =	sand.u32 $0x3F00, s29;
	s24 =	sand.u32 $0x1F00, s3;
	[sflag:s23] =	ssyncset.done $0x0  }
0x137: {  	s4 =	sand.u32 $0x60, s3;
	s12 =	sadd.s32 $0x1A700, s24;
	[sflag:s23] =	ssyncadd.s32 $0xFFFFF600  }
0x138: {  	s16 =	sand.u32 $0x60, s14;
	s5 =	sor.u32 $0x10, s4;
	s13 =	sor.u32 s4, s12;
	v51 =	vld [tilespmem:s0+$0x1A700]  }
0x139: {  	s10 =	sor.u32 s16, s15;
	s18 =	simm.s32 $0x30;
	s9 =	sor.u32 s5, s12;
	v53 =	vld [tilespmem:s13+$0x0]  }
0x13a: {  	s15 =	sand.u32 $0x3F00, s11;
	s14 =	sand.u32 $0x70, s18;
	s12 =	simm.s32 $0x80;
	v34 =	vld [tilespmem:s9+$0x0]  }
0x13b: {  	s14 =	sor.u32 s14, s15;
	s24 =	simm.s32 $0x50;
	s16 =	sand.u32 $0x3F00, s12;
	v54 =	vld [tilespmem:s10+$0x1A700]  }
0x13c: {  	s19 =	simm.s32 $0xC0;
	s18 =	sand.u32 $0x70, s24;
	s8 =	sor.u32 s8, s16;
	v37 =	vld [tilespmem:s14+$0x1A700]  }
0x13d: {  	s11 =	sand.u32 $0x60, s11;
	s15 =	sand.u32 $0x3F00, s19;
	s16 =	sor.u32 s18, s25;
	v56 =	vld [tilespmem:s8+$0x1A700]  }
0x13e: {  	s11 =	sor.u32 s11, s15;
	s24 =	simm.s32 $0x70;
	v57 =	vld [tilespmem:s16+$0x1A700]  }
0x13f: {  	s15 =	sand.u32 $0x70, s24;
	s24 =	sadd.s32 $0x1A700, s11;
	v58 =	vld [tilespmem:s11+$0x1A700]  }
0x140: {  	v46 =	vld [tilespmem:s24+$0x80]  }
0x141: {  	s3 =	sand.u32 $0xF80, s3;
	v60 =	vld [tilespmem:s13+$0x80]  }
0x142: {  	v1 =	vadd.f32 v10, v1;
	s3 =	sor.u32 s5, s3;
	v50 =	vld [tilespmem:s9+$0x80]  }
0x143: {  	v0 =	vadd.f32 v11, v0;
	s28 =	simm.s32 $0x1BBF0;
	v3 =	vadd.f32 v13, v3;
	v35 =	vld [tilespmem:s3+$0x1BB00]  }
0x144: {  	v5 =	vadd.f32 v15, v5;
	v8 =	vadd.f32 v20, v8;
	v20 =	vld [tilespmem:s28+$0xFFFFFFB0]  }
0x145: {  	v9 =	vadd.f32 v17, v9;
	v1 =	vadd.f32 v21, v1;
	v21 =	vld [tilespmem:s28+$0xFFFFFFD0]  }
0x146: {  	v15 =	vadd.f32 v19, v0;
	v17 =	vadd.f32 v23, v3;
	v23 =	vld [tilespmem:s28+$0xFFFFFFE0]  }
0x147: {  	v0 =	vadd.f32 v26, v1;
	v26 =	vld [tilespmem:s28+$0xFFFFFFF0]  }
0x148: {  	s19 =	simm.s32 $0xE0;
	v1 =	vadd.f32 v24, v15;
	s0 =	sadd.s32 $0x1A700, s0;
	v24 =	vld [tilespmem:s28+$0x0]  }
0x149: {  	s18 =	sand.u32 $0x3F00, s19;
	s10 =	sadd.s32 $0x1A700, s10;
	v52 =	vld [tilespmem:s0+$0x80]  }
0x14a: {  	s15 =	sor.u32 s15, s18;
	v39 =	vld [tilespmem:s10+$0x80]  }
0x14b: {  	s14 =	sadd.s32 $0x1A700, s14;
	v59 =	vld [tilespmem:s15+$0x1A700]  }
0x14c: {  	s8 =	sadd.s32 $0x1A700, s8;
	v43 =	vld [tilespmem:s14+$0x80]  }
0x14d: {  	s19 =	sadd.s32 $0x1A700, s16;
	v62 =	vld [tilespmem:s8+$0x80]  }
0x14e: {  	s25 =	simm.s32 $0x100;
	s0 =	simm.s32 $0x1BB50;
	v63 =	vld [tilespmem:s19+$0x80]  }
0x14f: {  	s24 =	simm.s32 $0xC0;
	s10 =	sand.u32 $0x3F00, s25;
	s25 =	sadd.s32 $0x1A700, s15;
	v55 =	vld [tilespmem:s0+$0x40]  }
0x150: {  	s8 =	sand.u32 $0x1F80, s12;
	s12 =	simm.s32 $0x180;
	s10 =	sor.u32 s4, s10;
	v47 =	vld [tilespmem:s25+$0x80]  }
0x151: {  	s5 =	sand.u32 $0x3F00, s12;
	s12 =	sand.u32 $0x60, s24;
	v61 =	vld [tilespmem:s10+$0x1A700];
	s10 =	sadd.s32 $0x1A700, s10  }
0x152: {  	s5 =	sor.u32 s12, s5;
	v48 =	vld [tilespmem:s10+$0x80]  }
0x153: {  	v49 =	vld [tilespmem:s5+$0x1A700]  }
0x154: {  	v36 =	vmul.u32 $0x9, v55;
	v55 =	vld [tilespmem:s0+$0x0]  }
0x155: {  	v31 =	vld.idx.msk [tilespmem:v51+s7+$0x0], $0xffff  }
0x156: {  	v51 =	vld.idx.msk [tilespmem:v53+s7+$0x0], $0xffff  }
0x157: {  	v37 =	vld.idx.msk [tilespmem:v37+s7+$0x0], $0xffff  }
0x158: {  	v38 =	vld.idx.msk [tilespmem:v56+s7+$0x0], $0xffff  }
0x159: {  	v40 =	vld.idx.msk [tilespmem:v57+s7+$0x0], $0xffff  }
0x15a: {  	v41 =	vld.idx.msk [tilespmem:v58+s7+$0x0], $0xffff  }
0x15b: {  	v53 =	vld [tilespmem:s0+$0xFFFFFFE0]  }
0x15c: {  	v56 =	vld [tilespmem:s0+$0x10]  }
0x15d: {  	v57 =	vld [tilespmem:s0+$0x20]  }
0x15e: {  	v58 =	vld [tilespmem:s0+$0xFFFFFFB0]  }
0x15f: {  	v46 =	vld.idx.msk [tilespmem:v46+s7+$0x0], $0xffff  }
0x160: {  	v32 =	vld.idx.msk [tilespmem:v52+s7+$0x0], $0xffff  }
0x161: {  	v52 =	vld.idx.msk [tilespmem:v54+s7+$0x0], $0xffff  }
0x162: {  	v42 =	vld.idx.msk [tilespmem:v59+s7+$0x0], $0xffff  }
0x163: {  	v54 =	vld [tilespmem:s0+$0xFFFFFFF0]  }
0x164: {  	v39 =	vld.idx.msk [tilespmem:v39+s7+$0x0], $0xffff  }
0x165: {  	v43 =	vld.idx.msk [tilespmem:v43+s7+$0x0], $0xffff  }
0x166: {  	v44 =	vld.idx.msk [tilespmem:v62+s7+$0x0], $0xffff  }
0x167: {  	s9 =	simm.s32 $0x130;
	s13 =	simm.s32 $0x1A0;
	s18 =	simm.s32 $0x1E0;
	v45 =	vld.idx.msk [tilespmem:v63+s7+$0x0], $0xffff  }
0x168: {  	s15 =	simm.s32 $0x1C0;
	s4 =	sor.u32 s4, s8;
	s10 =	simm.s32 $0x260;
	v33 =	vld.idx.msk [tilespmem:v61+s7+$0x0], $0xffff  }
0x169: {  	v61 =	vld [tilespmem:s0+$0xFFFFFFD0];
	s0 =	sand.u32 $0x70, s9;
	s9 =	sand.u32 $0x3F00, s15;
	s15 =	simm.s32 $0xD0  }
0x16a: {  	s8 =	sand.u32 $0x3F00, s13;
	s3 =	sand.u32 $0x3F00, s10;
	v47 =	vld.idx.msk [tilespmem:v47+s7+$0x0], $0xffff;
	v63 =	vmul.u32 $0x9, v55;
	s12 =	sand.u32 $0x70, s15  }
0x16b: {  	s10 =	sand.u32 $0x3F00, s18;
	s18 =	simm.s32 $0xF0;
	v49 =	vld.idx.msk [tilespmem:v49+s7+$0x0], $0xffff;
	v31 =	vmul.u32 $0x3, v31;
	v37 =	vmul.u32 $0x3, v37;
	v40 =	vmul.u32 $0x3, v40;
	s8 =	sor.u32 s12, s8  }
0x16c: {  	v53 =	vmul.u32 $0x9, v53;
	v55 =	vmul.u32 $0x9, v57;
	v57 =	vmul.u32 $0x3, v51;
	s12 =	sand.u32 $0x70, s18;
	v51 =	vld [tilespmem:s8+$0x1A700]  }
0x16d: {  	s10 =	sor.u32 s12, s10;
	v40 =	vadd.s32 v63, v40;
	v63 =	vld [tilespmem:s28+$0x40]  }
0x16e: {  	v31 =	vadd.s32 v36, v31;
	v37 =	vadd.s32 v53, v37;
	v53 =	vld [tilespmem:s10+$0x1A700]  }
0x16f: {  	v31 =	vadd.s32 v32, v31;
	v32 =	vld.idx.msk [tilespmem:v34+s7+$0x0], $0xffff  }
0x170: {  	v34 =	vld [tilespmem:s4+$0x1BB00]  }
0x171: {  	s14 =	simm.s32 $0x220;
	s24 =	simm.s32 $0x110;
	s0 =	sor.u32 s0, s3;
	v38 =	vmul.u32 $0x3, v38;
	v62 =	vmul.u32 $0x9, v54;
	v43 =	vadd.s32 v43, v37;
	v37 =	vld.idx.msk [tilespmem:v50+s7+$0x0], $0xffff  }
0x172: {  	s14 =	sand.u32 $0x3F00, s14;
	s16 =	sadd.s32 $0x1A700, s0;
	v54 =	vmul.u32 $0x3, v42;
	s12 =	sand.u32 $0x70, s24;
	v36 =	vmul.u32 $0x9, v61;
	v61 =	vld [tilespmem:s0+$0x1A700]  }
0x173: {  	s11 =	simm.s32 $0x140;
	v58 =	vmul.u32 $0x9, v58;
	s12 =	sor.u32 s12, s14;
	v38 =	vadd.s32 v62, v38;
	v62 =	vld [tilespmem:s16+$0x80]  }
0x174: {  	s3 =	sand.u32 $0x1F00, s11;
	v52 =	vmul.u32 $0x3, v52;
	s18 =	sadd.s32 $0x1A700, s10;
	v42 =	vadd.s32 v55, v54;
	v55 =	vld [tilespmem:s12+$0x1A700]  }
0x175: {  	s19 =	sadd.s32 $0x1A700, s3;
	v59 =	vadd.s32 v58, v57;
	s0 =	sand.u32 $0x60, s29;
	v58 =	vld [tilespmem:s18+$0x80]  }
0x176: {  	s4 =	sor.u32 s0, s19;
	v36 =	vadd.s32 v36, v52;
	v52 =	vmul.u32 $0x9, v56;
	v56 =	vld.idx.msk [tilespmem:v60+s7+$0x0], $0xffff  }
0x177: {  	s16 =	simm.s32 $0xE0;
	v42 =	vadd.s32 v47, v42;
	s3 =	sor.u32 $0x10, s0;
	v47 =	vld [tilespmem:s4+$0x0]  }
0x178: {  	v41 =	vmul.u32 $0x3, v41;
	s15 =	sand.u32 $0x60, s16;
	s11 =	sor.u32 s3, s19;
	v39 =	vadd.s32 v39, v36;
	v36 =	vld.idx.msk [tilespmem:v48+s7+$0x0], $0xffff  }
0x179: {  	v45 =	vadd.s32 v45, v40;
	s9 =	sor.u32 s15, s9;
	v48 =	vld [tilespmem:s11+$0x0]  }
0x17a: {  	s16 =	sadd.s32 $0x1A700, s9;
	v41 =	vadd.s32 v52, v41;
	v52 =	vld [tilespmem:s9+$0x1A700]  }
0x17b: {  	v44 =	vadd.s32 v44, v38;
	v57 =	vld [tilespmem:s16+$0x80]  }
0x17c: {  	s25 =	simm.s32 $0x200;
	s19 =	simm.s32 $0x100;
	v50 =	vmul.u32 $0x9, v63;
	v63 =	vld [tilespmem:s11+$0x80]  }
0x17d: {  	s13 =	sand.u32 $0x3F00, s25;
	s15 =	sand.u32 $0x60, s19;
	v31 =	vld.idx.msk [tilespmem:v31+s17+$0x0], $0xffff  }
0x17e: {  	s13 =	sor.u32 s15, s13;
	v46 =	vadd.s32 v46, v41;
	v41 =	vld.idx.msk [tilespmem:v45+s17+$0x0], $0xffff  }
0x17f: {  	v54 =	vld [tilespmem:s13+$0x1A700]  }
0x180: {  	s25 =	simm.s32 $0x240;
	v40 =	vld.idx.msk [tilespmem:v44+s17+$0x0], $0xffff  }
0x181: {  	s15 =	sand.u32 $0x3F00, s25;
	v42 =	vld.idx.msk [tilespmem:v42+s17+$0x0], $0xffff  }
0x182: {  	s14 =	sor.u32 s0, s15;
	v51 =	vld.idx.msk [tilespmem:v51+s7+$0x0], $0xffff  }
0x183: {  	s9 =	simm.s32 $0x120;
	s19 =	sadd.s32 $0x1A700, s13;
	v60 =	vadd.s32 v56, v59;
	v56 =	vld [tilespmem:s14+$0x1A700]  }
0x184: {  	s10 =	sand.u32 $0x1F80, s9;
	v59 =	vld [tilespmem:s19+$0x80]  }
0x185: {  	s0 =	sor.u32 s0, s10;
	v11 =	vld.idx.msk [tilespmem:v53+s7+$0x0], $0xffff  }
0x186: {  	v7 =	vadd.f32 v18, v7;
	v18 =	vld [tilespmem:s0+$0x1BB00]  }
0x187: {  	v38 =	vld.idx.msk [tilespmem:v39+s17+$0x0], $0xffff  }
0x188: {  	v39 =	vld.idx.msk [tilespmem:v43+s17+$0x0], $0xffff  }
0x189: {  	s25 =	sadd.s32 $0x1A700, s14;
	v45 =	vld.idx.msk [tilespmem:v61+s7+$0x0], $0xffff  }
0x18a: {  	v2 =	vadd.f32 v12, v2;
	v61 =	vld [tilespmem:s25+$0x80]  }
0x18b: {  	v13 =	vld.idx.msk [tilespmem:v55+s7+$0x0], $0xffff  }
0x18c: {  	v4 =	vadd.f32 v14, v4;
	v2 =	vadd.f32 v22, v2;
	v43 =	vld.idx.msk [tilespmem:v46+s17+$0x0], $0xffff  }
0x18d: {  	v22 =	vadd.f32 v29, v7;
	v19 =	vadd.f32 v27, v5;
	v5 =	vmul.u32 $0x9, v35;
	v46 =	vld.idx.msk [tilespmem:v62+s7+$0x0], $0xffff  }
0x18e: {  	v7 =	vmul.u32 $0x3, v33;
	v3 =	vmul.u32 $0x3, v32;
	v35 =	vmul.u32 $0x9, v34;
	v62 =	vld [tilespmem:s4+$0x80]  }
0x18f: {  	v4 =	vadd.f32 v25, v4;
	v47 =	vld.idx.msk [tilespmem:v47+s7+$0x0], $0xffff  }
0x190: {  	v15 =	vadd.f32 v31, v8;
	v8 =	vadd.s32 v5, v3;
	v5 =	vadd.s32 v35, v7;
	v48 =	vld.idx.msk [tilespmem:v48+s7+$0x0], $0xffff  }
0x191: {  	v25 =	vadd.s32 v36, v5;
	v5 =	vadd.f32 v40, v4;
	v4 =	vadd.f32 v41, v19;
	v41 =	vld [tilespmem:s28+$0x20]  }
0x192: {  	s24 =	sadd.s32 $0x1A700, s12;
	v44 =	vld.idx.msk [tilespmem:v60+s17+$0x0], $0xffff;
	v45 =	vmul.u32 $0x3, v45  }
0x193: {  	v60 =	vld [tilespmem:s24+$0x80]  }
0x194: {  	s8 =	sadd.s32 $0x1A700, s8;
	v10 =	vld.idx.msk [tilespmem:v52+s7+$0x0], $0xffff;
	v45 =	vadd.s32 v50, v45  }
0x195: {  	s5 =	sadd.s32 $0x1A700, s5;
	v45 =	vadd.s32 v46, v45;
	v46 =	vld [tilespmem:s8+$0x80]  }
0x196: {  	v50 =	vld [tilespmem:s5+$0x80]  }
0x197: {  	v12 =	vld.idx.msk [tilespmem:v54+s7+$0x0], $0xffff  }
0x198: {  	v3 =	vadd.f32 v38, v2;
	v2 =	vadd.f32 v39, v17;
	v17 =	vld [tilespmem:s28+$0x10]  }
0x199: {  	v54 =	vld.idx.msk [tilespmem:v57+s7+$0x0], $0xffff;
	s8 =	sand.u32 $0xF80, s29  }
0x19a: {  	v14 =	vld.idx.msk [tilespmem:v56+s7+$0x0], $0xffff;
	s3 =	sor.u32 s3, s8  }
0x19b: {  	v6 =	vadd.f32 v16, v6;
	v9 =	vadd.f32 v30, v9;
	v16 =	vld [tilespmem:s3+$0x1BB00]  }
0x19c: {  	v21 =	vmul.u32 $0x9, v21;
	v53 =	vadd.s32 v37, v8;
	v55 =	vmul.u32 $0x3, v51;
	v45 =	vld.idx.msk [tilespmem:v45+s17+$0x0], $0xffff  }
0x19d: {  	v57 =	vmul.u32 $0x3, v11;
	v11 =	vmul.u32 $0x9, v23;
	v8 =	vadd.f32 v44, v22;
	v22 =	vld.idx.msk [tilespmem:v46+s7+$0x0], $0xffff  }
0x19e: {  	v20 =	vmul.u32 $0x9, v20;
	v19 =	vmul.u32 $0x3, v49;
	v7 =	vadd.f32 v42, v9;
	v52 =	vld.idx.msk [tilespmem:v50+s7+$0x0], $0xffff  }
0x19f: {  	v18 =	vmul.u32 $0x9, v18;
	v56 =	vld.idx.msk [tilespmem:v58+s7+$0x0], $0xffff;
	v23 =	vadd.s32 v11, v55;
	v10 =	vmul.u32 $0x3, v10  }
0x1a0: {  	v59 =	vld.idx.msk [tilespmem:v59+s7+$0x0], $0xffff;
	v58 =	vmul.u32 $0x3, v12;
	v14 =	vmul.u32 $0x3, v14;
	v12 =	vmul.u32 $0x9, v16  }
0x1a1: {  	v61 =	vld.idx.msk [tilespmem:v61+s7+$0x0], $0xffff;
	v9 =	vadd.f32 v45, v15;
	v15 =	vadd.s32 v21, v19;
	v19 =	vmul.u32 $0x3, v48  }
0x1a2: {  	v16 =	vld.idx.msk [tilespmem:v60+s7+$0x0], $0xffff;
	v21 =	vmul.u32 $0x3, v47;
	v31 =	vadd.s32 v22, v23;
	v22 =	vmul.u32 $0x9, v26  }
0x1a3: {  	s30 =	simm.s32 $0x3C0;
	s12 =	simm.s32 $0x2C0;
	s18 =	simm.s32 $0x340;
	v15 =	vadd.s32 v52, v15;
	v11 =	vadd.s32 v12, v19;
	v19 =	vld.idx.msk [tilespmem:v62+s7+$0x0], $0xffff;
	v23 =	vmul.u32 $0x9, v24  }
0x1a4: {  	s12 =	sand.u32 $0x3F00, s12;
	s11 =	simm.s32 $0x280;
	s16 =	simm.s32 $0x320;
	v62 =	vmul.u32 $0x9, v17;
	v17 =	vld.idx.msk [tilespmem:v63+s7+$0x0], $0xffff;
	v63 =	vadd.s32 v18, v14;
	v10 =	vadd.s32 v22, v10  }
0x1a5: {  	s15 =	simm.s32 $0x300;
	s0 =	sand.u32 $0x1F00, s11;
	s14 =	simm.s32 $0x2E0;
	v18 =	vadd.s32 v20, v21;
	v21 =	vadd.s32 v23, v57;
	v23 =	vadd.s32 v54, v10  }
0x1a6: {  	s19 =	simm.s32 $0x360;
	s25 =	simm.s32 $0x380;
	s13 =	sadd.s32 $0x1A700, s0;
	v13 =	vmul.u32 $0x3, v13;
	v20 =	vmul.u32 $0x9, v41;
	v12 =	vld.idx.msk [tilespmem:v53+s17+$0x0], $0xffff;
	v22 =	vadd.s32 v56, v21  }
0x1a7: {  	v6 =	vadd.f32 v28, v6;
	s0 =	sand.u32 $0x3F00, s16;
	s31 =	sand.u32 $0x3F00, s25;
	s4 =	sand.u32 $0x3F00, s18;
	v14 =	vld.idx.msk [tilespmem:v25+s17+$0x0], $0xffff;
	v24 =	vadd.s32 v62, v58  }
0x1a8: {  	s18 =	simm.s32 $0x1D0;
	s24 =	sand.u32 $0x3F00, s15;
	s5 =	sand.u32 $0x3F00, s14;
	v13 =	vadd.s32 v20, v13;
	v21 =	vadd.s32 v59, v24;
	v15 =	vld.idx.msk [tilespmem:v15+s17+$0x0], $0xffff  }
0x1a9: {  	v6 =	vadd.f32 v43, v6;
	s29 =	simm.s32 $0x140;
	s3 =	sand.u32 $0x3F00, s19;
	s19 =	simm.s32 $0x3A0;
	v20 =	vadd.s32 v16, v13;
	v10 =	vadd.s32 v61, v63;
	v16 =	vld.idx.msk [tilespmem:v31+s17+$0x0], $0xffff  }
.LBB2_5:
0x1aa: {  	p2 =	sne.s32 s30, $0x12C0;
	s8 =	sand.u32 $0x70, s18;
	s9 =	sand.u32 $0x3F00, s19;
	v18 =	vadd.s32 v19, v18;
	v19 =	vld.idx.msk [tilespmem:v23+s17+$0x0], $0xffff  }
0x1ab: {  	s10 =	sadd.s32 $0x20, s29;
	s11 =	sadd.s32 $0x30, s29;
	v13 =	vadd.s32 v17, v11;
	s8 =	sor.u32 s8, s9;
	v11 =	vld.idx.msk [tilespmem:v22+s17+$0x0], $0xffff  }
0x1ac: {  	s14 =	sadd.s32 $0x50, s29;
	s15 =	sadd.s32 $0x60, s29;
	s9 =	sadd.s32 $0x40, s29;
	v0 =	vadd.f32 v12, v0;
	v17 =	vld [tilespmem:s8+$0x1A700]  }
0x1ad: {  	s16 =	sand.u32 $0x60, s29;
	s19 =	sadd.s32 $0x70, s29;
	s10 =	sand.u32 $0x60, s10;
	v1 =	vadd.f32 v14, v1;
	v12 =	vld.idx.msk [tilespmem:v21+s17+$0x0], $0xffff  }
0x1ae: {  	s25 =	sor.u32 $0x10, s16;
	s11 =	sand.u32 $0x70, s11;
	s8 =	sadd.s32 $0x1A700, s8;
	v3 =	vadd.f32 v15, v3;
	v14 =	vld.idx.msk [tilespmem:v20+s17+$0x0], $0xffff  }
0x1af: {  	s14 =	sand.u32 $0x70, s14;
	s15 =	sand.u32 $0x60, s15;
	s9 =	sand.u32 $0x60, s9;
	v2 =	vadd.f32 v16, v2;
	v15 =	vld [tilespmem:s8+$0x80]  }
0x1b0: {  	s18 =	sor.u32 s16, s13;
	s13 =	sor.u32 s25, s13;
	s8 =	sand.u32 $0x70, s19;
	v5 =	vadd.f32 v19, v5;
	v16 =	vld.idx.msk [tilespmem:v18+s17+$0x0], $0xffff  }
0x1b1: {  	s10 =	sor.u32 s10, s12;
	s5 =	sor.u32 s11, s5;
	s9 =	sor.u32 s9, s24;
	v4 =	vadd.f32 v11, v4;
	v18 =	vld [tilespmem:s18+$0x0]  }
0x1b2: {  	s0 =	sor.u32 s14, s0;
	s4 =	sor.u32 s15, s4;
	s3 =	sor.u32 s8, s3;
	v11 =	vld [tilespmem:s13+$0x0]  }
0x1b3: {  	s11 =	sor.u32 s16, s31;
	s8 =	sadd.s32 $0x1A700, s10;
	v6 =	vadd.f32 v12, v6;
	v19 =	vld [tilespmem:s10+$0x1A700];
	s10 =	sadd.s32 $0x1A700, s5  }
0x1b4: {  	s28 =	sadd.s32 $0xA0, s28;
	s14 =	sadd.s32 $0x1A700, s0;
	s12 =	sadd.s32 $0x1A700, s9;
	v7 =	vadd.f32 v14, v7;
	v12 =	vld.idx.msk [tilespmem:v17+s7+$0x0], $0xffff  }
0x1b5: {  	s15 =	sadd.s32 $0x1A700, s4;
	s24 =	sadd.s32 $0x1A700, s11;
	s19 =	sadd.s32 $0x1A700, s3;
	v14 =	vld [tilespmem:s28+$0x40]  }
0x1b6: {  	s31 =	sand.u32 $0xF80, s29;
	v8 =	vadd.f32 v16, v8;
	v17 =	vld [tilespmem:s5+$0x1A700];
	s5 =	sadd.s32 $0x80, s29  }
0x1b7: {  	s25 =	sor.u32 s25, s31;
	s5 =	sand.u32 $0x1F80, s5;
	v15 =	vld.idx.msk [tilespmem:v15+s7+$0x0], $0xffff  }
0x1b8: {  	v16 =	vld [tilespmem:s9+$0x1A700];
	s5 =	sor.u32 s16, s5  }
0x1b9: {  	v20 =	vld [tilespmem:s0+$0x1A700]  }
0x1ba: {  	v12 =	vmul.u32 $0x3, v12;
	v21 =	vld [tilespmem:s4+$0x1A700];
	v14 =	vmul.u32 $0x9, v14  }
0x1bb: {  	v22 =	vld [tilespmem:s3+$0x1A700]  }
0x1bc: {  	v23 =	vld [tilespmem:s11+$0x1A700];
	v12 =	vadd.s32 v14, v12  }
0x1bd: {  	v14 =	vld [tilespmem:s8+$0x80];
	v12 =	vadd.s32 v15, v12  }
0x1be: {  	v15 =	vld [tilespmem:s10+$0x80]  }
0x1bf: {  	v24 =	vld [tilespmem:s12+$0x80]  }
0x1c0: {  	v25 =	vld [tilespmem:s14+$0x80]  }
0x1c1: {  	v26 =	vld [tilespmem:s15+$0x80]  }
0x1c2: {  	v12 =	vld.idx.msk [tilespmem:v12+s17+$0x0], $0xffff  }
0x1c3: {  	v27 =	vld [tilespmem:s19+$0x80]  }
0x1c4: {  	v28 =	vld [tilespmem:s24+$0x80]  }
0x1c5: {  	v29 =	vld [tilespmem:s18+$0x80]  }
0x1c6: {  	v30 =	vld [tilespmem:s13+$0x80]  }
0x1c7: {  	v18 =	vld.idx.msk [tilespmem:v18+s7+$0x0], $0xffff  }
0x1c8: {  	v9 =	vadd.f32 v12, v9;
	v11 =	vld.idx.msk [tilespmem:v11+s7+$0x0], $0xffff  }
0x1c9: {  	v12 =	vld.idx.msk [tilespmem:v19+s7+$0x0], $0xffff  }
0x1ca: {  	v17 =	vld.idx.msk [tilespmem:v17+s7+$0x0], $0xffff  }
0x1cb: {  	v16 =	vld.idx.msk [tilespmem:v16+s7+$0x0], $0xffff  }
0x1cc: {  	v19 =	vld.idx.msk [tilespmem:v20+s7+$0x0], $0xffff  }
0x1cd: {  	v18 =	vmul.u32 $0x3, v18;
	v20 =	vld.idx.msk [tilespmem:v21+s7+$0x0], $0xffff  }
0x1ce: {  	v11 =	vmul.u32 $0x3, v11;
	v21 =	vld.idx.msk [tilespmem:v22+s7+$0x0], $0xffff  }
0x1cf: {  	v12 =	vmul.u32 $0x3, v12;
	v22 =	vld.idx.msk [tilespmem:v23+s7+$0x0], $0xffff  }
0x1d0: {  	v17 =	vmul.u32 $0x3, v17;
	v23 =	vld [tilespmem:s25+$0x1BB00]  }
0x1d1: {  	v16 =	vmul.u32 $0x3, v16;
	v31 =	vld [tilespmem:s5+$0x1BB00]  }
0x1d2: {  	v19 =	vmul.u32 $0x3, v19;
	v32 =	vld [tilespmem:s28+$0xFFFFFFB0]  }
0x1d3: {  	v20 =	vmul.u32 $0x3, v20;
	v33 =	vld [tilespmem:s28+$0xFFFFFFD0]  }
0x1d4: {  	v21 =	vmul.u32 $0x3, v21;
	v34 =	vld [tilespmem:s28+$0xFFFFFFE0]  }
0x1d5: {  	v22 =	vmul.u32 $0x3, v22;
	v23 =	vmul.u32 $0x9, v23;
	v35 =	vld [tilespmem:s28+$0xFFFFFFF0]  }
0x1d6: {  	v36 =	vld [tilespmem:s28+$0x0];
	v31 =	vmul.u32 $0x9, v31  }
0x1d7: {  	v32 =	vmul.u32 $0x9, v32;
	v11 =	vadd.s32 v23, v11;
	v23 =	vld [tilespmem:s28+$0x10]  }
0x1d8: {  	v33 =	vmul.u32 $0x9, v33;
	v37 =	vld [tilespmem:s28+$0x20];
	v31 =	vadd.s32 v31, v22  }
0x1d9: {  	v18 =	vadd.s32 v32, v18;
	v14 =	vld.idx.msk [tilespmem:v14+s7+$0x0], $0xffff;
	v22 =	vmul.u32 $0x9, v34  }
0x1da: {  	v12 =	vadd.s32 v33, v12;
	v15 =	vld.idx.msk [tilespmem:v15+s7+$0x0], $0xffff;
	v32 =	vmul.u32 $0x9, v35  }
0x1db: {  	v17 =	vadd.s32 v22, v17;
	v22 =	vld.idx.msk [tilespmem:v24+s7+$0x0], $0xffff;
	v24 =	vmul.u32 $0x9, v36  }
0x1dc: {  	v16 =	vadd.s32 v32, v16;
	v25 =	vld.idx.msk [tilespmem:v25+s7+$0x0], $0xffff;
	v23 =	vmul.u32 $0x9, v23  }
0x1dd: {  	v24 =	vadd.s32 v24, v19;
	v26 =	vld.idx.msk [tilespmem:v26+s7+$0x0], $0xffff;
	v19 =	vmul.u32 $0x9, v37  }
0x1de: {  	v20 =	vadd.s32 v23, v20;
	v27 =	vld.idx.msk [tilespmem:v27+s7+$0x0], $0xffff  }
0x1df: {  	s9 =	sadd.s32 $0xA0, s30;
	s0 =	sand.u32 $0x1F00, s30;
	s3 =	sadd.s32 $0x40, s30;
	v32 =	vadd.s32 v14, v12;
	v33 =	vadd.s32 v19, v21;
	v28 =	vld.idx.msk [tilespmem:v28+s7+$0x0], $0xffff  }
0x1e0: {  	s4 =	sadd.s32 $0x60, s30;
	s11 =	sadd.s32 $0xE0, s30;
	s8 =	sadd.s32 $0x80, s30;
	v19 =	vld.idx.msk [tilespmem:v29+s7+$0x0], $0xffff;
	v29 =	vadd.s32 v15, v17  }
.Ltmp3:
0x1e1: {  	s10 =	sadd.s32 $0xC0, s30;
	s14 =	sadd.s32 $0x100, s30;
	v23 =	vadd.s32 v22, v16;
	v17 =	vld.idx.msk [tilespmem:v30+s7+$0x0], $0xffff;
	(pc) =	sbr.rel @p2 .LBB2_5-.Ltmp3, $4  }
0x1e2: {  	s12 =	sand.u32 $0x3F00, s3;
	s13 =	sadd.s32 $0x1A700, s0;
	s5 =	sand.u32 $0x3F00, s4;
	v22 =	vadd.s32 v25, v24;
	v12 =	vld.idx.msk [tilespmem:v13+s17+$0x0], $0xffff  }
0x1e3: {  	s24 =	sand.u32 $0x3F00, s8;
	s0 =	sand.u32 $0x3F00, s9;
	s4 =	sand.u32 $0x3F00, s10;
	v21 =	vadd.s32 v26, v20;
	v14 =	vld.idx.msk [tilespmem:v10+s17+$0x0], $0xffff  }
0x1e4: {  	s29 =	sadd.s32 $0xA0, s29;
	s3 =	sand.u32 $0x3F00, s11;
	s31 =	sand.u32 $0x3F00, s14;
	v20 =	vadd.s32 v27, v33;
	v15 =	vld.idx.msk [tilespmem:v32+s17+$0x0], $0xffff  }
0x1e5: {  	s19 =	sadd.s32 $0x120, s30;
	s30 =	sadd.s32 $0x140, s30;
	s18 =	sadd.s32 $0x90, s29;
	v10 =	vadd.s32 v28, v31;
	v16 =	vld.idx.msk [tilespmem:v29+s17+$0x0], $0xffff  }
0x1e6: {  	_ =	sdelay $0x3  }
0x1e7: {  	v13 =	vld.idx.msk [tilespmem:v23+s17+$0x0], $0xffff  }
0x1e8: {  	v54 =	vadd.s32 v19, v18;
	v18 =	vld.idx.msk [tilespmem:v22+s17+$0x0], $0xffff  }
0x1e9: {  	v19 =	vld.idx.msk [tilespmem:v21+s17+$0x0], $0xffff  }
0x1ea: {  	s8 =	sand.u32 $0x70, s18;
	s9 =	sand.u32 $0x3F00, s19;
	v20 =	vld.idx.msk [tilespmem:v20+s17+$0x0], $0xffff  }
0x1eb: {  	s18 =	sand.u32 $0x60, s29;
	v10 =	vld.idx.msk [tilespmem:v10+s17+$0x0], $0xffff;
	s8 =	sor.u32 s8, s9  }
0x1ec: {  	s9 =	sor.u32 s18, s13;
	v55 =	vld [tilespmem:s8+$0x1A700]  }
0x1ed: {  	s16 =	sor.u32 s18, s31;
	v56 =	vld [tilespmem:s9+$0x0]  }
0x1ee: {  	v33 =	vld [tilespmem:s16+$0x1A700]  }
0x1ef: {  	s11 =	sadd.s32 $0x30, s29;
	s30 =	sor.u32 $0x10, s18;
	s8 =	sadd.s32 $0x1A700, s8;
	v39 =	vld [tilespmem:s9+$0x80]  }
0x1f0: {  	s14 =	sadd.s32 $0x60, s29;
	s11 =	sand.u32 $0x70, s11;
	s10 =	sor.u32 s30, s13;
	v24 =	vld [tilespmem:s8+$0x80]  }
0x1f1: {  	s15 =	sadd.s32 $0x70, s29;
	s14 =	sand.u32 $0x60, s14;
	s5 =	sor.u32 s11, s5;
	v25 =	vld [tilespmem:s10+$0x0]  }
0x1f2: {  	s15 =	sand.u32 $0x70, s15;
	s4 =	sor.u32 s14, s4;
	v28 =	vld [tilespmem:s5+$0x1A700]  }
0x1f3: {  	s25 =	sadd.s32 $0x40, s29;
	s3 =	sor.u32 s15, s3;
	v31 =	vld [tilespmem:s4+$0x1A700]  }
0x1f4: {  	s13 =	sand.u32 $0x60, s25;
	s25 =	sadd.s32 $0x1A700, s16;
	v32 =	vld [tilespmem:s3+$0x1A700]  }
0x1f5: {  	v38 =	vld [tilespmem:s25+$0x80]  }
0x1f6: {  	s13 =	sor.u32 s13, s24;
	v40 =	vld [tilespmem:s10+$0x80]  }
0x1f7: {  	s5 =	sadd.s32 $0x1A700, s5;
	v29 =	vld [tilespmem:s13+$0x1A700]  }
0x1f8: {  	s4 =	sadd.s32 $0x1A700, s4;
	v58 =	vld [tilespmem:s5+$0x80]  }
0x1f9: {  	s19 =	sadd.s32 $0x20, s29;
	s24 =	sadd.s32 $0x1A700, s3;
	v36 =	vld [tilespmem:s4+$0x80]  }
0x1fa: {  	s8 =	sand.u32 $0x60, s19;
	v37 =	vld [tilespmem:s24+$0x80]  }
0x1fb: {  	s8 =	sor.u32 s8, s12;
	v21 =	vld.idx.msk [tilespmem:v54+s17+$0x0], $0xffff  }
0x1fc: {  	s31 =	sadd.s32 $0x80, s29;
	s12 =	sadd.s32 $0xA0, s28;
	v26 =	vld [tilespmem:s8+$0x1A700]  }
0x1fd: {  	s3 =	sand.u32 $0x1F80, s31;
	s19 =	sadd.s32 $0x1A700, s13;
	v27 =	vld [tilespmem:s12+$0x40]  }
0x1fe: {  	s3 =	sor.u32 s18, s3;
	v34 =	vld [tilespmem:s19+$0x80]  }
0x1ff: {  	v42 =	vld [tilespmem:s3+$0x1BB00]  }
0x200: {  	v43 =	vld [tilespmem:s12+$0xFFFFFFB0]  }
0x201: {  	v44 =	vld [tilespmem:s12+$0xFFFFFFD0]  }
0x202: {  	v11 =	vadd.s32 v17, v11;
	v45 =	vld [tilespmem:s12+$0xFFFFFFE0]  }
0x203: {  	v46 =	vld [tilespmem:s12+$0xFFFFFFF0]  }
0x204: {  	v47 =	vld [tilespmem:s12+$0x0]  }
0x205: {  	v48 =	vld [tilespmem:s12+$0x10]  }
0x206: {  	s28 =	sadd.s32 $0x50, s29;
	v49 =	vld [tilespmem:s12+$0x20]  }
0x207: {  	s11 =	sand.u32 $0x70, s28;
	s8 =	sadd.s32 $0x1A700, s8;
	v11 =	vld.idx.msk [tilespmem:v11+s17+$0x0], $0xffff  }
0x208: {  	s0 =	sor.u32 s11, s0;
	v57 =	vld [tilespmem:s8+$0x80]  }
0x209: {  	s28 =	sand.u32 $0xF80, s29;
	v30 =	vld [tilespmem:s0+$0x1A700];
	s0 =	sadd.s32 $0x1A700, s0  }
0x20a: {  	v35 =	vld [tilespmem:s0+$0x80];
	s0 =	sor.u32 s30, s28  }
0x20b: {  	v41 =	vld [tilespmem:s0+$0x1BB00]  }
0x20c: {  	v22 =	vld.idx.msk [tilespmem:v55+s7+$0x0], $0xffff  }
0x20d: {  	v23 =	vld.idx.msk [tilespmem:v56+s7+$0x0], $0xffff  }
0x20e: {  	v33 =	vld.idx.msk [tilespmem:v33+s7+$0x0], $0xffff  }
0x20f: {  	v51 =	vld.idx.msk [tilespmem:v39+s7+$0x0], $0xffff  }
0x210: {  	v24 =	vld.idx.msk [tilespmem:v24+s7+$0x0], $0xffff  }
0x211: {  	v25 =	vld.idx.msk [tilespmem:v25+s7+$0x0], $0xffff  }
0x212: {  	v28 =	vld.idx.msk [tilespmem:v28+s7+$0x0], $0xffff  }
0x213: {  	v31 =	vld.idx.msk [tilespmem:v31+s7+$0x0], $0xffff  }
0x214: {  	v32 =	vld.idx.msk [tilespmem:v32+s7+$0x0], $0xffff  }
0x215: {  	v0 =	vadd.f32 v12, v0;
	v38 =	vld.idx.msk [tilespmem:v38+s7+$0x0], $0xffff  }
0x216: {  	v27 =	vmul.u32 $0x9, v27;
	v44 =	vmul.u32 $0x9, v44;
	v45 =	vmul.u32 $0x9, v45;
	v52 =	vld.idx.msk [tilespmem:v40+s7+$0x0], $0xffff  }
0x217: {  	v46 =	vmul.u32 $0x9, v46;
	v62 =	vmul.u32 $0x9, v47;
	v63 =	vmul.u32 $0x9, v48;
	v29 =	vld.idx.msk [tilespmem:v29+s7+$0x0], $0xffff  }
0x218: {  	v50 =	vmul.u32 $0x9, v49;
	v53 =	vmul.u32 $0x9, v43;
	v61 =	vld.idx.msk [tilespmem:v36+s7+$0x0], $0xffff;
	v22 =	vmul.u32 $0x3, v22  }
0x219: {  	v55 =	vmul.u32 $0x9, v42;
	v26 =	vld.idx.msk [tilespmem:v26+s7+$0x0], $0xffff;
	v54 =	vmul.u32 $0x9, v41;
	v23 =	vmul.u32 $0x3, v23  }
0x21a: {  	v30 =	vld.idx.msk [tilespmem:v30+s7+$0x0], $0xffff;
	v33 =	vmul.u32 $0x3, v33;
	v28 =	vmul.u32 $0x3, v28;
	v22 =	vadd.s32 v27, v22  }
0x21b: {  	v34 =	vld.idx.msk [tilespmem:v34+s7+$0x0], $0xffff;
	v31 =	vmul.u32 $0x3, v31;
	v23 =	vadd.s32 v53, v23;
	v22 =	vadd.s32 v24, v22  }
0x21c: {  	v25 =	vmul.u32 $0x3, v25;
	v27 =	vld.idx.msk [tilespmem:v57+s7+$0x0], $0xffff;
	v56 =	vadd.s32 v55, v33;
	v23 =	vadd.s32 v51, v23  }
0x21d: {  	v29 =	vmul.u32 $0x3, v29;
	v24 =	vld.idx.msk [tilespmem:v58+s7+$0x0], $0xffff;
	v31 =	vadd.s32 v63, v31;
	v57 =	vadd.s32 v38, v56  }
0x21e: {  	v60 =	vld.idx.msk [tilespmem:v35+s7+$0x0], $0xffff;
	v26 =	vmul.u32 $0x3, v26;
	v25 =	vadd.s32 v54, v25;
	v31 =	vadd.s32 v61, v31  }
0x21f: {  	v37 =	vld.idx.msk [tilespmem:v37+s7+$0x0], $0xffff;
	v29 =	vadd.s32 v46, v29;
	v25 =	vadd.s32 v52, v25;
	v30 =	vmul.u32 $0x3, v30  }
0x220: {  	v48 =	vmul.u32 $0x3, v32;
	v59 =	vadd.s32 v44, v26;
	v29 =	vadd.s32 v34, v29;
	v22 =	vld.idx.msk [tilespmem:v22+s17+$0x0], $0xffff  }
0x221: {  	v28 =	vadd.s32 v45, v28;
	v17 =	vadd.s32 v27, v59;
	v30 =	vadd.s32 v62, v30;
	v62 =	vld.idx.msk [tilespmem:v23+s17+$0x0], $0xffff  }
0x222: {  	v0 =	vadd.f32 v11, v0;
	v24 =	vadd.s32 v24, v28;
	v11 =	vld.idx.msk [tilespmem:v57+s17+$0x0], $0xffff  }
0x223: {  	v27 =	vadd.s32 v50, v48;
	v26 =	vadd.s32 v60, v30;
	v58 =	vld.idx.msk [tilespmem:v31+s17+$0x0], $0xffff  }
0x224: {  	v27 =	vadd.s32 v37, v27;
	v63 =	vld.idx.msk [tilespmem:v25+s17+$0x0], $0xffff  }
0x225: {  	v1 =	vadd.f32 v14, v1;
	v29 =	vld.idx.msk [tilespmem:v29+s17+$0x0], $0xffff  }
0x226: {  	v3 =	vadd.f32 v15, v3;
	v5 =	vadd.f32 v13, v5;
	v17 =	vld.idx.msk [tilespmem:v17+s17+$0x0], $0xffff  }
0x227: {  	v6 =	vadd.f32 v19, v6;
	v7 =	vadd.f32 v20, v7;
	v24 =	vld.idx.msk [tilespmem:v24+s17+$0x0], $0xffff  }
0x228: {  	v10 =	vadd.f32 v10, v1;
	v8 =	vadd.f32 v21, v8;
	v26 =	vld.idx.msk [tilespmem:v26+s17+$0x0], $0xffff  }
0x229: {  	v61 =	vadd.f32 v18, v4;
	v59 =	vadd.f32 v16, v2;
	v60 =	vld.idx.msk [tilespmem:v27+s17+$0x0], $0xffff  }
.Ltmp4:
0x22a: {  	v2 =	vadd.f32 v22, v9;
	v8 =	vadd.f32 v62, v8;
	(pc) =	sbr.rel @p1 .LBB2_8-.Ltmp4, $4  }
0x22b: {  	v6 =	vadd.f32 v58, v6;
	v1 =	vadd.f32 v63, v0  }
0x22c: {  	v0 =	vadd.f32 v11, v10;
	v4 =	vadd.f32 v29, v5  }
0x22d: {  	v9 =	vadd.f32 v17, v3;
	v3 =	vadd.f32 v24, v59  }
0x22e: {  	v5 =	vadd.f32 v26, v61;
	v7 =	vadd.f32 v60, v7  }
0x22f: {  	s0 =	sshll.u32 s26, $0x1  }
0x230: {  	s0 =	sadd.s32 s6, s0  }
0x231: {  	s0 =	smul.u32 $0xA00, s0;
	_ =	sdelay $0x1  }
0x232: {  	s0 =	sadd.s32 $0x1E00, s0  }
.Ltmp5:
0x233: {  	s3 =	sshrl.u32 s0, $0x2;
	(pc) =	sbr.rel .LBB2_2-.Ltmp5, $4  }
0x234: {  	s0 =	sshrl.u32 s0, $0x3;
	s3 =	sadd.s32 s1, s3  }
0x235: {  	[tilespmem:s20], [sflag:$0x2] =	stream.linear.gather [hbm4b:s3+s7], $0x1400, $0x38;
	[tilespmem:$0x1C580] =	vst v63  }
0x236: {  	s26 =	sadd.s32 $0x1, s26;
	s0 =	sadd.s32 s2, s0  }
0x237: {  	[tilespmem:s21], [sflag:$0x2] =	stream.linear.gather [hbm4b:s0+s7], $0xA00, $0x38;
	[tilespmem:$0x1C580] =	vst v63  }
.LBB2_8:
.Ltmp6:
0x238: {  	(pc) =	sbr.rel @p0 .LBB2_9-.Ltmp6, $1  }
0x239: {  	_ =	sdelay $0x3  }
0x23a: {  	s3 =	rddreg [dreg:$0xa]  }
0x23b: {  	s0 =	simm.s32 $0x0;
	s4 =	simm.s32 $0x18900;
	s12 =	rddreg [dreg:$0xb]  }
0x23c: {  	s13 =	simm.s32 $0x19D00;
	s14 =	simm.s32 $0x90;
	s15 =	simm.s32 $0x120  }
0x23d: {  	[tilespmem:s4], [sflag:$0x1] =	stream.linear.gather [hbm4b:s3+s0], $0x1400, $0x38;
	[tilespmem:$0x1C580] =	vst v63  }
0x23e: {  	s8 =	simm.s32 $0x40;
	s18 =	simm.s32 $0x20;
	s19 =	simm.s32 $0x60  }
0x23f: {  	[tilespmem:s13], [sflag:$0x1] =	stream.linear.gather [hbm4b:s12+s0], $0xA00, $0x38;
	[tilespmem:$0x1C580] =	vst v63  }
0x240: {  	s28 =	simm.s32 $0xA0;
	s24 =	simm.s32 $0xC0;
	_ =	swait.ge [sflag:s22], $0x1400  }
0x241: {  	s26 =	simm.s32 $0xE0;
	s31 =	simm.s32 $0x70;
	[sflag:s22] =	ssyncset.done $0x0  }
0x242: {  	s3 =	sand.u32 $0x70, s14;
	s4 =	sand.u32 $0x3F00, s15;
	[sflag:s22] =	ssyncadd.s32 $0xFFFFEC00  }
0x243: {  	s16 =	sand.u32 $0x1F00, s0;
	s10 =	sand.u32 $0x3F00, s8;
	_ =	swait.ge [sflag:s22], $0xA00  }
0x244: {  	s11 =	sand.u32 $0x60, s18;
	s3 =	sor.u32 s3, s4;
	[sflag:s22] =	ssyncset.done $0x0  }
0x245: {  	s9 =	sadd.s32 $0x18900, s16;
	s4 =	sand.u32 $0x60, s0;
	[sflag:s22] =	ssyncadd.s32 $0xFFFFF600  }
0x246: {  	s14 =	simm.s32 $0x30;
	s5 =	sor.u32 $0x10, s4;
	s13 =	sor.u32 s4, s9;
	v10 =	vld [tilespmem:s3+$0x18900]  }
0x247: {  	s15 =	sand.u32 $0x3F00, s19;
	s8 =	sand.u32 $0x60, s8;
	s9 =	sor.u32 s5, s9;
	v12 =	vld [tilespmem:s13+$0x0]  }
0x248: {  	s10 =	sor.u32 s11, s10;
	s14 =	sand.u32 $0x70, s14;
	s12 =	simm.s32 $0x80;
	v13 =	vld [tilespmem:s9+$0x0]  }
0x249: {  	s18 =	simm.s32 $0x50;
	s14 =	sor.u32 s14, s15;
	s16 =	sand.u32 $0x3F00, s12;
	v14 =	vld [tilespmem:s10+$0x18900]  }
0x24a: {  	s25 =	sand.u32 $0x3F00, s28;
	s18 =	sand.u32 $0x70, s18;
	s8 =	sor.u32 s8, s16;
	v16 =	vld [tilespmem:s14+$0x18900]  }
0x24b: {  	s11 =	sand.u32 $0x60, s19;
	s15 =	sand.u32 $0x3F00, s24;
	s16 =	sor.u32 s18, s25;
	v17 =	vld [tilespmem:s8+$0x18900]  }
0x24c: {  	s11 =	sor.u32 s11, s15;
	s15 =	sand.u32 $0x70, s31;
	s18 =	sand.u32 $0x3F00, s26;
	v19 =	vld [tilespmem:s16+$0x18900]  }
0x24d: {  	s15 =	sor.u32 s15, s18;
	v20 =	vld [tilespmem:s11+$0x18900]  }
0x24e: {  	s24 =	sadd.s32 $0x18900, s16;
	v21 =	vld [tilespmem:s15+$0x18900]  }
0x24f: {  	s25 =	sadd.s32 $0x18900, s11;
	v24 =	vld [tilespmem:s24+$0x80]  }
0x250: {  	s26 =	sadd.s32 $0x18900, s15;
	v25 =	vld [tilespmem:s25+$0x80]  }
0x251: {  	v26 =	vld [tilespmem:s26+$0x80]  }
0x252: {  	v28 =	vld [tilespmem:s13+$0x80]  }
0x253: {  	s3 =	sadd.s32 $0x18900, s3;
	v29 =	vld [tilespmem:s9+$0x80]  }
0x254: {  	s10 =	sadd.s32 $0x18900, s10;
	v11 =	vld [tilespmem:s3+$0x80]  }
0x255: {  	s14 =	sadd.s32 $0x18900, s14;
	v18 =	vld [tilespmem:s10+$0x80]  }
0x256: {  	s8 =	sadd.s32 $0x18900, s8;
	v22 =	vld [tilespmem:s14+$0x80]  }
0x257: {  	s26 =	simm.s32 $0x19DF0;
	v23 =	vld [tilespmem:s8+$0x80]  }
0x258: {  	s3 =	simm.s32 $0x19D50;
	v53 =	vld [tilespmem:s26+$0x40]  }
0x259: {  	v15 =	vld [tilespmem:s3+$0x40]  }
0x25a: {  	v32 =	vld [tilespmem:s3+$0xFFFFFFE0]  }
0x25b: {  	v33 =	vld [tilespmem:s3+$0xFFFFFFF0]  }
0x25c: {  	v34 =	vld [tilespmem:s3+$0x0]  }
0x25d: {  	v35 =	vld [tilespmem:s3+$0x10]  }
0x25e: {  	v36 =	vld [tilespmem:s3+$0x20]  }
0x25f: {  	v37 =	vld [tilespmem:s3+$0xFFFFFFB0]  }
0x260: {  	v10 =	vld.idx.msk [tilespmem:v10+s7+$0x0], $0xffff  }
0x261: {  	v30 =	vld.idx.msk [tilespmem:v12+s7+$0x0], $0xffff  }
0x262: {  	v31 =	vld.idx.msk [tilespmem:v14+s7+$0x0], $0xffff  }
0x263: {  	v16 =	vld.idx.msk [tilespmem:v16+s7+$0x0], $0xffff  }
0x264: {  	v17 =	vld.idx.msk [tilespmem:v17+s7+$0x0], $0xffff  }
0x265: {  	v19 =	vld.idx.msk [tilespmem:v19+s7+$0x0], $0xffff  }
0x266: {  	s0 =	sand.u32 $0xF80, s0;
	v20 =	vld.idx.msk [tilespmem:v20+s7+$0x0], $0xffff  }
0x267: {  	s0 =	sor.u32 s5, s0;
	v21 =	vld.idx.msk [tilespmem:v21+s7+$0x0], $0xffff  }
0x268: {  	v14 =	vld [tilespmem:s0+$0x19D00]  }
0x269: {  	v24 =	vld.idx.msk [tilespmem:v24+s7+$0x0], $0xffff  }
0x26a: {  	v25 =	vld.idx.msk [tilespmem:v25+s7+$0x0], $0xffff  }
0x26b: {  	v26 =	vld.idx.msk [tilespmem:v26+s7+$0x0], $0xffff  }
0x26c: {  	v45 =	vld.idx.msk [tilespmem:v28+s7+$0x0], $0xffff  }
0x26d: {  	v11 =	vld.idx.msk [tilespmem:v11+s7+$0x0], $0xffff  }
0x26e: {  	s19 =	simm.s32 $0x100;
	v15 =	vmul.u32 $0x9, v15;
	v32 =	vmul.u32 $0x9, v32;
	v22 =	vld.idx.msk [tilespmem:v22+s7+$0x0], $0xffff  }
0x26f: {  	s10 =	sand.u32 $0x3F00, s19;
	v43 =	vmul.u32 $0x9, v33;
	v44 =	vmul.u32 $0x9, v34;
	v23 =	vld.idx.msk [tilespmem:v23+s7+$0x0], $0xffff;
	v10 =	vmul.u32 $0x3, v10  }
0x270: {  	s10 =	sor.u32 s4, s10;
	v47 =	vmul.u32 $0x9, v37;
	v18 =	vld.idx.msk [tilespmem:v18+s7+$0x0], $0xffff;
	v16 =	vmul.u32 $0x3, v16;
	v17 =	vmul.u32 $0x3, v17  }
0x271: {  	v19 =	vmul.u32 $0x3, v19;
	v20 =	vmul.u32 $0x3, v20;
	v10 =	vadd.s32 v15, v10;
	v15 =	vld [tilespmem:s10+$0x18900];
	s10 =	sadd.s32 $0x18900, s10  }
0x272: {  	s31 =	sand.u32 $0x1F80, s12;
	v21 =	vmul.u32 $0x3, v21;
	v16 =	vadd.s32 v32, v16;
	v17 =	vadd.s32 v43, v17;
	v27 =	vld [tilespmem:s10+$0x80]  }
0x273: {  	s4 =	sor.u32 s4, s31;
	v10 =	vadd.s32 v11, v10;
	v11 =	vld.idx.msk [tilespmem:v13+s7+$0x0], $0xffff;
	v22 =	vadd.s32 v22, v16;
	v16 =	vmul.u32 $0x9, v35  }
0x274: {  	v46 =	vmul.u32 $0x3, v30;
	v13 =	vld [tilespmem:s4+$0x19D00];
	v17 =	vadd.s32 v23, v17;
	v23 =	vmul.u32 $0x9, v36  }
0x275: {  	v20 =	vadd.s32 v16, v20;
	v16 =	vld.idx.msk [tilespmem:v29+s7+$0x0], $0xffff  }
0x276: {  	v19 =	vadd.s32 v44, v19;
	v21 =	vadd.s32 v23, v21;
	v23 =	vadd.s32 v47, v46;
	v46 =	vld [tilespmem:s26+$0xFFFFFFD0]  }
0x277: {  	v19 =	vadd.s32 v24, v19;
	v47 =	vld [tilespmem:s26+$0xFFFFFFE0]  }
0x278: {  	v23 =	vadd.s32 v45, v23;
	v45 =	vld [tilespmem:s26+$0xFFFFFFB0]  }
0x279: {  	v10 =	vld.idx.msk [tilespmem:v10+s17+$0x0], $0xffff  }
0x27a: {  	v22 =	vld.idx.msk [tilespmem:v22+s17+$0x0], $0xffff  }
0x27b: {  	v20 =	vadd.s32 v25, v20;
	v17 =	vld.idx.msk [tilespmem:v17+s17+$0x0], $0xffff  }
0x27c: {  	v21 =	vadd.s32 v26, v21;
	v19 =	vld.idx.msk [tilespmem:v19+s17+$0x0], $0xffff  }
0x27d: {  	v14 =	vmul.u32 $0x9, v14;
	v11 =	vmul.u32 $0x3, v11;
	v12 =	vld.idx.msk [tilespmem:v15+s7+$0x0], $0xffff  }
0x27e: {  	v15 =	vld [tilespmem:s3+$0xFFFFFFD0]  }
0x27f: {  	v11 =	vadd.s32 v14, v11;
	v14 =	vld [tilespmem:s26+$0x0]  }
0x280: {  	s4 =	simm.s32 $0x260;
	s3 =	simm.s32 $0x130;
	v20 =	vld.idx.msk [tilespmem:v20+s17+$0x0], $0xffff  }
0x281: {  	s5 =	simm.s32 $0x140;
	s0 =	sand.u32 $0x70, s3;
	s3 =	sand.u32 $0x3F00, s4;
	v21 =	vld.idx.msk [tilespmem:v21+s17+$0x0], $0xffff  }
0x282: {  	v23 =	vld.idx.msk [tilespmem:v23+s17+$0x0], $0xffff;
	s0 =	sor.u32 s0, s3;
	s3 =	sand.u32 $0x1F00, s5  }
0x283: {  	v48 =	vld [tilespmem:s0+$0x18900];
	s12 =	sadd.s32 $0x18900, s0;
	s15 =	sadd.s32 $0x18900, s3;
	s0 =	sand.u32 $0x60, s28  }
0x284: {  	s9 =	simm.s32 $0x1A0;
	v49 =	vld [tilespmem:s12+$0x80];
	s4 =	sor.u32 s0, s15  }
0x285: {  	s16 =	simm.s32 $0xC0;
	s8 =	simm.s32 $0x180;
	s3 =	sor.u32 $0x10, s0;
	v50 =	vld [tilespmem:s4+$0x0]  }
0x286: {  	s5 =	sand.u32 $0x3F00, s8;
	s12 =	sand.u32 $0x60, s16;
	s11 =	sor.u32 s3, s15;
	v41 =	vld [tilespmem:s4+$0x80]  }
0x287: {  	s24 =	simm.s32 $0xE0;
	s19 =	simm.s32 $0xD0;
	s5 =	sor.u32 s12, s5;
	v51 =	vld [tilespmem:s11+$0x0]  }
0x288: {  	s10 =	simm.s32 $0x1C0;
	s8 =	sand.u32 $0x3F00, s9;
	s12 =	sand.u32 $0x70, s19;
	v52 =	vld [tilespmem:s5+$0x18900]  }
0x289: {  	s9 =	sand.u32 $0x3F00, s10;
	s15 =	sand.u32 $0x60, s24;
	s8 =	sor.u32 s12, s8;
	v42 =	vld [tilespmem:s11+$0x80]  }
0x28a: {  	v31 =	vmul.u32 $0x3, v31;
	s9 =	sor.u32 s15, s9;
	v54 =	vld [tilespmem:s8+$0x18900]  }
0x28b: {  	v13 =	vmul.u32 $0x9, v13;
	v15 =	vmul.u32 $0x9, v15;
	v12 =	vmul.u32 $0x3, v12;
	s5 =	sadd.s32 $0x18900, s5;
	v55 =	vld [tilespmem:s9+$0x18900]  }
0x28c: {  	s18 =	simm.s32 $0x200;
	s13 =	simm.s32 $0x1E0;
	s25 =	simm.s32 $0xF0;
	v60 =	vld [tilespmem:s5+$0x80]  }
0x28d: {  	s31 =	simm.s32 $0x100;
	s10 =	sand.u32 $0x3F00, s13;
	s12 =	sand.u32 $0x70, s25;
	v15 =	vadd.s32 v15, v31;
	v12 =	vadd.s32 v13, v12;
	v13 =	vld [tilespmem:s26+$0x10]  }
0x28e: {  	s13 =	sand.u32 $0x3F00, s18;
	s15 =	sand.u32 $0x60, s31;
	s10 =	sor.u32 s12, s10;
	v18 =	vadd.s32 v18, v15;
	v15 =	vld.idx.msk [tilespmem:v27+s7+$0x0], $0xffff  }
0x28f: {  	s14 =	simm.s32 $0x220;
	s13 =	sor.u32 s15, s13;
	v56 =	vld [tilespmem:s10+$0x18900]  }
0x290: {  	s14 =	sand.u32 $0x3F00, s14;
	s16 =	simm.s32 $0x110;
	s8 =	sadd.s32 $0x18900, s8;
	v57 =	vld [tilespmem:s13+$0x18900]  }
0x291: {  	s18 =	simm.s32 $0x240;
	s12 =	sand.u32 $0x70, s16;
	s24 =	sadd.s32 $0x18900, s9;
	v61 =	vld [tilespmem:s8+$0x80]  }
0x292: {  	s19 =	sand.u32 $0x3F00, s18;
	s12 =	sor.u32 s12, s14;
	v62 =	vld [tilespmem:s24+$0x80]  }
0x293: {  	s14 =	sor.u32 s0, s19;
	v58 =	vld [tilespmem:s12+$0x18900]  }
0x294: {  	s25 =	sadd.s32 $0x18900, s10;
	v59 =	vld [tilespmem:s14+$0x18900]  }
0x295: {  	s31 =	sadd.s32 $0x18900, s13;
	v63 =	vld [tilespmem:s25+$0x80]  }
0x296: {  	v38 =	vld [tilespmem:s31+$0x80];
	s8 =	sadd.s32 $0x18900, s12  }
0x297: {  	s10 =	sand.u32 $0xF80, s28;
	s9 =	sadd.s32 $0x18900, s14;
	v39 =	vld [tilespmem:s8+$0x80]  }
0x298: {  	s11 =	simm.s32 $0x120;
	s3 =	sor.u32 s3, s10;
	v40 =	vld [tilespmem:s9+$0x80]  }
0x299: {  	s12 =	sand.u32 $0x1F80, s11;
	v43 =	vld [tilespmem:s3+$0x19D00]  }
0x29a: {  	s0 =	sor.u32 s0, s12;
	v24 =	vld.idx.msk [tilespmem:v48+s7+$0x0], $0xffff  }
0x29b: {  	v44 =	vld [tilespmem:s0+$0x19D00]  }
0x29c: {  	v48 =	vld [tilespmem:s26+$0xFFFFFFF0]  }
0x29d: {  	v25 =	vld.idx.msk [tilespmem:v49+s7+$0x0], $0xffff  }
0x29e: {  	v18 =	vld.idx.msk [tilespmem:v18+s17+$0x0], $0xffff  }
0x29f: {  	v29 =	vmul.u32 $0x9, v53;
	v26 =	vld.idx.msk [tilespmem:v50+s7+$0x0], $0xffff;
	v24 =	vmul.u32 $0x3, v24  }
0x2a0: {  	v15 =	vadd.s32 v15, v12;
	v12 =	vld [tilespmem:s26+$0x20]  }
0x2a1: {  	v27 =	vld.idx.msk [tilespmem:v51+s7+$0x0], $0xffff;
	v24 =	vadd.s32 v29, v24  }
0x2a2: {  	v28 =	vld.idx.msk [tilespmem:v52+s7+$0x0], $0xffff;
	v24 =	vadd.s32 v25, v24  }
0x2a3: {  	v30 =	vld.idx.msk [tilespmem:v54+s7+$0x0], $0xffff  }
0x2a4: {  	v10 =	vadd.f32 v10, v2;
	v31 =	vld.idx.msk [tilespmem:v55+s7+$0x0], $0xffff  }
0x2a5: {  	v2 =	vadd.f32 v22, v3;
	v3 =	vadd.f32 v19, v5;
	v19 =	vld.idx.msk [tilespmem:v60+s7+$0x0], $0xffff  }
0x2a6: {  	v32 =	vld.idx.msk [tilespmem:v56+s7+$0x0], $0xffff  }
0x2a7: {  	v24 =	vld.idx.msk [tilespmem:v24+s17+$0x0], $0xffff  }
0x2a8: {  	v4 =	vadd.f32 v17, v4;
	v33 =	vld.idx.msk [tilespmem:v57+s7+$0x0], $0xffff  }
0x2a9: {  	v5 =	vadd.f32 v20, v6;
	v6 =	vadd.f32 v21, v7;
	v20 =	vld.idx.msk [tilespmem:v61+s7+$0x0], $0xffff  }
0x2aa: {  	v21 =	vld.idx.msk [tilespmem:v62+s7+$0x0], $0xffff;
	v9 =	vadd.f32 v18, v9;
	v18 =	vmul.u32 $0x9, v46;
	v17 =	vmul.u32 $0x3, v28  }
0x2ab: {  	v16 =	vadd.s32 v16, v11;
	v7 =	vadd.f32 v23, v8;
	v52 =	vmul.u32 $0x9, v47;
	v34 =	vld.idx.msk [tilespmem:v58+s7+$0x0], $0xffff  }
0x2ac: {  	v35 =	vld.idx.msk [tilespmem:v59+s7+$0x0], $0xffff;
	v8 =	vadd.f32 v24, v10;
	v10 =	vadd.s32 v18, v17;
	v17 =	vmul.u32 $0x3, v30  }
0x2ad: {  	v14 =	vmul.u32 $0x9, v14;
	v13 =	vmul.u32 $0x9, v13;
	v50 =	vld.idx.msk [tilespmem:v63+s7+$0x0], $0xffff  }
0x2ae: {  	v55 =	vmul.u32 $0x9, v43;
	v60 =	vmul.u32 $0x9, v45;
	v53 =	vld.idx.msk [tilespmem:v38+s7+$0x0], $0xffff;
	v17 =	vadd.s32 v52, v17  }
0x2af: {  	v57 =	vld.idx.msk [tilespmem:v39+s7+$0x0], $0xffff;
	v22 =	vmul.u32 $0x3, v31;
	v61 =	vadd.s32 v20, v17;
	v20 =	vmul.u32 $0x9, v48  }
0x2b0: {  	s29 =	simm.s32 $0x3C0;
	s18 =	simm.s32 $0x320;
	s15 =	simm.s32 $0x2E0;
	v58 =	vmul.u32 $0x9, v44;
	v59 =	vld.idx.msk [tilespmem:v40+s7+$0x0], $0xffff;
	v23 =	vmul.u32 $0x3, v32;
	v10 =	vadd.s32 v19, v10  }
0x2b1: {  	s16 =	simm.s32 $0x300;
	s13 =	simm.s32 $0x280;
	s19 =	simm.s32 $0x340;
	v62 =	vmul.u32 $0x9, v12;
	v12 =	vld.idx.msk [tilespmem:v16+s17+$0x0], $0xffff;
	v11 =	vmul.u32 $0x3, v27;
	v16 =	vadd.s32 v20, v22  }
0x2b2: {  	s5 =	sand.u32 $0x3F00, s15;
	s24 =	sand.u32 $0x3F00, s16;
	s28 =	simm.s32 $0x140;
	v51 =	vmul.u32 $0x3, v33;
	v19 =	vld.idx.msk [tilespmem:v41+s7+$0x0], $0xffff;
	v20 =	vadd.s32 v14, v23;
	v23 =	vadd.s32 v21, v16  }
0x2b3: {  	s14 =	simm.s32 $0x2C0;
	s25 =	simm.s32 $0x360;
	s31 =	simm.s32 $0x380;
	v54 =	vmul.u32 $0x3, v34;
	v56 =	vmul.u32 $0x3, v35;
	v17 =	vld.idx.msk [tilespmem:v42+s7+$0x0], $0xffff;
	v22 =	vadd.s32 v50, v20  }
0x2b4: {  	s4 =	sand.u32 $0x3F00, s19;
	s19 =	simm.s32 $0x3A0;
	s12 =	sand.u32 $0x3F00, s14;
	v11 =	vadd.s32 v55, v11;
	v13 =	vadd.s32 v13, v51;
	v18 =	vmul.u32 $0x3, v26;
	v14 =	vld.idx.msk [tilespmem:v15+s17+$0x0], $0xffff  }
0x2b5: {  	s3 =	sand.u32 $0x3F00, s25;
	s30 =	sand.u32 $0x3F00, s31;
	s0 =	sand.u32 $0x1F00, s13;
	v63 =	vadd.s32 v62, v54;
	v30 =	vadd.s32 v58, v56;
	v15 =	vld.idx.msk [tilespmem:v10+s17+$0x0], $0xffff;
	v21 =	vadd.s32 v53, v13  }
0x2b6: {  	s13 =	sadd.s32 $0x18900, s0;
	s0 =	sand.u32 $0x3F00, s18;
	s18 =	simm.s32 $0x1D0;
	v18 =	vadd.s32 v60, v18;
	v20 =	vadd.s32 v57, v63;
	v10 =	vadd.s32 v59, v30;
	v16 =	vld.idx.msk [tilespmem:v61+s17+$0x0], $0xffff  }
.LBB2_11:
0x2b7: {  	p1 =	sne.s32 s29, $0x12C0;
	s8 =	sand.u32 $0x70, s18;
	s9 =	sand.u32 $0x3F00, s19;
	v18 =	vadd.s32 v19, v18;
	v19 =	vld.idx.msk [tilespmem:v23+s17+$0x0], $0xffff  }
0x2b8: {  	s10 =	sadd.s32 $0x20, s28;
	s11 =	sadd.s32 $0x30, s28;
	v13 =	vadd.s32 v17, v11;
	s8 =	sor.u32 s8, s9;
	v11 =	vld.idx.msk [tilespmem:v22+s17+$0x0], $0xffff  }
0x2b9: {  	s14 =	sadd.s32 $0x50, s28;
	s15 =	sadd.s32 $0x60, s28;
	s9 =	sadd.s32 $0x40, s28;
	v1 =	vadd.f32 v12, v1;
	v17 =	vld [tilespmem:s8+$0x18900]  }
0x2ba: {  	s16 =	sand.u32 $0x60, s28;
	s19 =	sadd.s32 $0x70, s28;
	s10 =	sand.u32 $0x60, s10;
	v0 =	vadd.f32 v14, v0;
	v12 =	vld.idx.msk [tilespmem:v21+s17+$0x0], $0xffff  }
0x2bb: {  	s25 =	sor.u32 $0x10, s16;
	s11 =	sand.u32 $0x70, s11;
	s8 =	sadd.s32 $0x18900, s8;
	v9 =	vadd.f32 v15, v9;
	v14 =	vld.idx.msk [tilespmem:v20+s17+$0x0], $0xffff  }
0x2bc: {  	s14 =	sand.u32 $0x70, s14;
	s15 =	sand.u32 $0x60, s15;
	s9 =	sand.u32 $0x60, s9;
	v2 =	vadd.f32 v16, v2;
	v15 =	vld [tilespmem:s8+$0x80]  }
0x2bd: {  	s18 =	sor.u32 s16, s13;
	s13 =	sor.u32 s25, s13;
	s8 =	sand.u32 $0x70, s19;
	v4 =	vadd.f32 v19, v4;
	v16 =	vld.idx.msk [tilespmem:v18+s17+$0x0], $0xffff  }
0x2be: {  	s10 =	sor.u32 s10, s12;
	s5 =	sor.u32 s11, s5;
	s9 =	sor.u32 s9, s24;
	v3 =	vadd.f32 v11, v3;
	v18 =	vld [tilespmem:s18+$0x0]  }
0x2bf: {  	s0 =	sor.u32 s14, s0;
	s4 =	sor.u32 s15, s4;
	s3 =	sor.u32 s8, s3;
	v11 =	vld [tilespmem:s13+$0x0]  }
0x2c0: {  	s11 =	sor.u32 s16, s30;
	s8 =	sadd.s32 $0x18900, s10;
	v5 =	vadd.f32 v12, v5;
	v19 =	vld [tilespmem:s10+$0x18900];
	s10 =	sadd.s32 $0x18900, s5  }
0x2c1: {  	s26 =	sadd.s32 $0xA0, s26;
	s14 =	sadd.s32 $0x18900, s0;
	s12 =	sadd.s32 $0x18900, s9;
	v6 =	vadd.f32 v14, v6;
	v12 =	vld.idx.msk [tilespmem:v17+s7+$0x0], $0xffff  }
0x2c2: {  	s15 =	sadd.s32 $0x18900, s4;
	s24 =	sadd.s32 $0x18900, s11;
	s19 =	sadd.s32 $0x18900, s3;
	v14 =	vld [tilespmem:s26+$0x40]  }
0x2c3: {  	s30 =	sand.u32 $0xF80, s28;
	v7 =	vadd.f32 v16, v7;
	v17 =	vld [tilespmem:s5+$0x18900];
	s5 =	sadd.s32 $0x80, s28  }
0x2c4: {  	s25 =	sor.u32 s25, s30;
	s5 =	sand.u32 $0x1F80, s5;
	v15 =	vld.idx.msk [tilespmem:v15+s7+$0x0], $0xffff  }
0x2c5: {  	v16 =	vld [tilespmem:s9+$0x18900];
	s5 =	sor.u32 s16, s5  }
0x2c6: {  	v20 =	vld [tilespmem:s0+$0x18900]  }
0x2c7: {  	v12 =	vmul.u32 $0x3, v12;
	v21 =	vld [tilespmem:s4+$0x18900];
	v14 =	vmul.u32 $0x9, v14  }
0x2c8: {  	v22 =	vld [tilespmem:s3+$0x18900]  }
0x2c9: {  	v23 =	vld [tilespmem:s11+$0x18900];
	v12 =	vadd.s32 v14, v12  }
0x2ca: {  	v14 =	vld [tilespmem:s8+$0x80];
	v12 =	vadd.s32 v15, v12  }
0x2cb: {  	v15 =	vld [tilespmem:s10+$0x80]  }
0x2cc: {  	v24 =	vld [tilespmem:s12+$0x80]  }
0x2cd: {  	v25 =	vld [tilespmem:s14+$0x80]  }
0x2ce: {  	v26 =	vld [tilespmem:s15+$0x80]  }
0x2cf: {  	v12 =	vld.idx.msk [tilespmem:v12+s17+$0x0], $0xffff  }
0x2d0: {  	v27 =	vld [tilespmem:s19+$0x80]  }
0x2d1: {  	v28 =	vld [tilespmem:s24+$0x80]  }
0x2d2: {  	v29 =	vld [tilespmem:s18+$0x80]  }
0x2d3: {  	v30 =	vld [tilespmem:s13+$0x80]  }
0x2d4: {  	v18 =	vld.idx.msk [tilespmem:v18+s7+$0x0], $0xffff  }
0x2d5: {  	v8 =	vadd.f32 v12, v8;
	v11 =	vld.idx.msk [tilespmem:v11+s7+$0x0], $0xffff  }
0x2d6: {  	v12 =	vld.idx.msk [tilespmem:v19+s7+$0x0], $0xffff  }
0x2d7: {  	v17 =	vld.idx.msk [tilespmem:v17+s7+$0x0], $0xffff  }
0x2d8: {  	v16 =	vld.idx.msk [tilespmem:v16+s7+$0x0], $0xffff  }
0x2d9: {  	v19 =	vld.idx.msk [tilespmem:v20+s7+$0x0], $0xffff  }
0x2da: {  	v18 =	vmul.u32 $0x3, v18;
	v20 =	vld.idx.msk [tilespmem:v21+s7+$0x0], $0xffff  }
0x2db: {  	v11 =	vmul.u32 $0x3, v11;
	v21 =	vld.idx.msk [tilespmem:v22+s7+$0x0], $0xffff  }
0x2dc: {  	v12 =	vmul.u32 $0x3, v12;
	v22 =	vld.idx.msk [tilespmem:v23+s7+$0x0], $0xffff  }
0x2dd: {  	v17 =	vmul.u32 $0x3, v17;
	v23 =	vld [tilespmem:s25+$0x19D00]  }
0x2de: {  	v16 =	vmul.u32 $0x3, v16;
	v31 =	vld [tilespmem:s5+$0x19D00]  }
0x2df: {  	v19 =	vmul.u32 $0x3, v19;
	v32 =	vld [tilespmem:s26+$0xFFFFFFB0]  }
0x2e0: {  	v20 =	vmul.u32 $0x3, v20;
	v33 =	vld [tilespmem:s26+$0xFFFFFFD0]  }
0x2e1: {  	v21 =	vmul.u32 $0x3, v21;
	v34 =	vld [tilespmem:s26+$0xFFFFFFE0]  }
0x2e2: {  	v22 =	vmul.u32 $0x3, v22;
	v23 =	vmul.u32 $0x9, v23;
	v35 =	vld [tilespmem:s26+$0xFFFFFFF0]  }
0x2e3: {  	v36 =	vld [tilespmem:s26+$0x0];
	v31 =	vmul.u32 $0x9, v31  }
0x2e4: {  	v32 =	vmul.u32 $0x9, v32;
	v11 =	vadd.s32 v23, v11;
	v23 =	vld [tilespmem:s26+$0x10]  }
0x2e5: {  	v33 =	vmul.u32 $0x9, v33;
	v37 =	vld [tilespmem:s26+$0x20];
	v31 =	vadd.s32 v31, v22  }
0x2e6: {  	v18 =	vadd.s32 v32, v18;
	v14 =	vld.idx.msk [tilespmem:v14+s7+$0x0], $0xffff;
	v22 =	vmul.u32 $0x9, v34  }
0x2e7: {  	v12 =	vadd.s32 v33, v12;
	v15 =	vld.idx.msk [tilespmem:v15+s7+$0x0], $0xffff;
	v32 =	vmul.u32 $0x9, v35  }
0x2e8: {  	v17 =	vadd.s32 v22, v17;
	v22 =	vld.idx.msk [tilespmem:v24+s7+$0x0], $0xffff;
	v24 =	vmul.u32 $0x9, v36  }
0x2e9: {  	v16 =	vadd.s32 v32, v16;
	v25 =	vld.idx.msk [tilespmem:v25+s7+$0x0], $0xffff;
	v23 =	vmul.u32 $0x9, v23  }
0x2ea: {  	v24 =	vadd.s32 v24, v19;
	v26 =	vld.idx.msk [tilespmem:v26+s7+$0x0], $0xffff;
	v19 =	vmul.u32 $0x9, v37  }
0x2eb: {  	v20 =	vadd.s32 v23, v20;
	v27 =	vld.idx.msk [tilespmem:v27+s7+$0x0], $0xffff  }
0x2ec: {  	s9 =	sadd.s32 $0xA0, s29;
	s0 =	sand.u32 $0x1F00, s29;
	s3 =	sadd.s32 $0x40, s29;
	v32 =	vadd.s32 v14, v12;
	v33 =	vadd.s32 v19, v21;
	v28 =	vld.idx.msk [tilespmem:v28+s7+$0x0], $0xffff  }
0x2ed: {  	s4 =	sadd.s32 $0x60, s29;
	s11 =	sadd.s32 $0xE0, s29;
	s8 =	sadd.s32 $0x80, s29;
	v19 =	vld.idx.msk [tilespmem:v29+s7+$0x0], $0xffff;
	v29 =	vadd.s32 v15, v17  }
.Ltmp7:
0x2ee: {  	s10 =	sadd.s32 $0xC0, s29;
	s14 =	sadd.s32 $0x100, s29;
	v23 =	vadd.s32 v22, v16;
	v17 =	vld.idx.msk [tilespmem:v30+s7+$0x0], $0xffff;
	(pc) =	sbr.rel @p1 .LBB2_11-.Ltmp7, $4  }
0x2ef: {  	s12 =	sand.u32 $0x3F00, s3;
	s13 =	sadd.s32 $0x18900, s0;
	s5 =	sand.u32 $0x3F00, s4;
	v22 =	vadd.s32 v25, v24;
	v12 =	vld.idx.msk [tilespmem:v13+s17+$0x0], $0xffff  }
0x2f0: {  	s24 =	sand.u32 $0x3F00, s8;
	s0 =	sand.u32 $0x3F00, s9;
	s4 =	sand.u32 $0x3F00, s10;
	v21 =	vadd.s32 v26, v20;
	v14 =	vld.idx.msk [tilespmem:v10+s17+$0x0], $0xffff  }
0x2f1: {  	s28 =	sadd.s32 $0xA0, s28;
	s3 =	sand.u32 $0x3F00, s11;
	s30 =	sand.u32 $0x3F00, s14;
	v20 =	vadd.s32 v27, v33;
	v15 =	vld.idx.msk [tilespmem:v32+s17+$0x0], $0xffff  }
0x2f2: {  	s19 =	sadd.s32 $0x120, s29;
	s29 =	sadd.s32 $0x140, s29;
	s18 =	sadd.s32 $0x90, s28;
	v10 =	vadd.s32 v28, v31;
	v16 =	vld.idx.msk [tilespmem:v29+s17+$0x0], $0xffff  }
0x2f3: {  	_ =	sdelay $0x3  }
0x2f4: {  	v13 =	vld.idx.msk [tilespmem:v23+s17+$0x0], $0xffff  }
0x2f5: {  	v54 =	vadd.s32 v19, v18;
	v18 =	vld.idx.msk [tilespmem:v22+s17+$0x0], $0xffff  }
0x2f6: {  	v19 =	vld.idx.msk [tilespmem:v21+s17+$0x0], $0xffff  }
0x2f7: {  	s8 =	sand.u32 $0x70, s18;
	s9 =	sand.u32 $0x3F00, s19;
	v20 =	vld.idx.msk [tilespmem:v20+s17+$0x0], $0xffff  }
0x2f8: {  	s18 =	sand.u32 $0x60, s28;
	v10 =	vld.idx.msk [tilespmem:v10+s17+$0x0], $0xffff;
	s8 =	sor.u32 s8, s9  }
0x2f9: {  	s31 =	sor.u32 s18, s13;
	v55 =	vld [tilespmem:s8+$0x18900]  }
0x2fa: {  	s19 =	sor.u32 s18, s30;
	v56 =	vld [tilespmem:s31+$0x0]  }
0x2fb: {  	v33 =	vld [tilespmem:s19+$0x18900]  }
0x2fc: {  	s11 =	sadd.s32 $0x30, s28;
	s29 =	sor.u32 $0x10, s18;
	s8 =	sadd.s32 $0x18900, s8;
	v39 =	vld [tilespmem:s31+$0x80]  }
0x2fd: {  	s11 =	sand.u32 $0x70, s11;
	s10 =	sor.u32 s29, s13;
	v24 =	vld [tilespmem:s8+$0x80]  }
0x2fe: {  	s14 =	sadd.s32 $0x40, s28;
	s5 =	sor.u32 s11, s5;
	v25 =	vld [tilespmem:s10+$0x0]  }
0x2ff: {  	s15 =	sadd.s32 $0x50, s28;
	s13 =	sand.u32 $0x60, s14;
	v28 =	vld [tilespmem:s5+$0x18900]  }
0x300: {  	s11 =	sand.u32 $0x70, s15;
	s13 =	sor.u32 s13, s24;
	v40 =	vld [tilespmem:s10+$0x80]  }
0x301: {  	s0 =	sor.u32 s11, s0;
	v29 =	vld [tilespmem:s13+$0x18900]  }
0x302: {  	s25 =	sadd.s32 $0x20, s28;
	s5 =	sadd.s32 $0x18900, s5;
	v30 =	vld [tilespmem:s0+$0x18900]  }
0x303: {  	s8 =	sand.u32 $0x60, s25;
	v58 =	vld [tilespmem:s5+$0x80]  }
0x304: {  	s14 =	sadd.s32 $0x60, s28;
	s8 =	sor.u32 s8, s12;
	v21 =	vld.idx.msk [tilespmem:v54+s17+$0x0], $0xffff  }
0x305: {  	s15 =	sadd.s32 $0x70, s28;
	s14 =	sand.u32 $0x60, s14;
	s12 =	sadd.s32 $0xA0, s26;
	v26 =	vld [tilespmem:s8+$0x18900]  }
0x306: {  	s16 =	sand.u32 $0x70, s15;
	s4 =	sor.u32 s14, s4;
	v27 =	vld [tilespmem:s12+$0x40]  }
0x307: {  	s3 =	sor.u32 s16, s3;
	v31 =	vld [tilespmem:s4+$0x18900]  }
0x308: {  	s24 =	sadd.s32 $0x18900, s13;
	v32 =	vld [tilespmem:s3+$0x18900]  }
0x309: {  	s0 =	sadd.s32 $0x18900, s0;
	v34 =	vld [tilespmem:s24+$0x80]  }
0x30a: {  	s26 =	sadd.s32 $0x18900, s19;
	v35 =	vld [tilespmem:s0+$0x80]  }
0x30b: {  	v38 =	vld [tilespmem:s26+$0x80]  }
0x30c: {  	v43 =	vld [tilespmem:s12+$0xFFFFFFB0]  }
0x30d: {  	v44 =	vld [tilespmem:s12+$0xFFFFFFD0]  }
0x30e: {  	v11 =	vadd.s32 v17, v11;
	v45 =	vld [tilespmem:s12+$0xFFFFFFE0]  }
0x30f: {  	v46 =	vld [tilespmem:s12+$0xFFFFFFF0]  }
0x310: {  	v47 =	vld [tilespmem:s12+$0x0]  }
0x311: {  	v48 =	vld [tilespmem:s12+$0x10]  }
0x312: {  	v49 =	vld [tilespmem:s12+$0x20]  }
0x313: {  	s8 =	sadd.s32 $0x18900, s8;
	v11 =	vld.idx.msk [tilespmem:v11+s17+$0x0], $0xffff  }
0x314: {  	s4 =	sadd.s32 $0x18900, s4;
	v57 =	vld [tilespmem:s8+$0x80]  }
0x315: {  	s30 =	sand.u32 $0xF80, s28;
	s31 =	sadd.s32 $0x80, s28;
	s25 =	sadd.s32 $0x18900, s3;
	v36 =	vld [tilespmem:s4+$0x80]  }
0x316: {  	s0 =	sor.u32 s29, s30;
	s3 =	sand.u32 $0x1F80, s31;
	v37 =	vld [tilespmem:s25+$0x80]  }
0x317: {  	s3 =	sor.u32 s18, s3;
	v41 =	vld [tilespmem:s0+$0x19D00]  }
0x318: {  	v42 =	vld [tilespmem:s3+$0x19D00]  }
0x319: {  	v22 =	vld.idx.msk [tilespmem:v55+s7+$0x0], $0xffff  }
0x31a: {  	v23 =	vld.idx.msk [tilespmem:v56+s7+$0x0], $0xffff  }
0x31b: {  	v33 =	vld.idx.msk [tilespmem:v33+s7+$0x0], $0xffff  }
0x31c: {  	v50 =	vld.idx.msk [tilespmem:v39+s7+$0x0], $0xffff  }
0x31d: {  	v24 =	vld.idx.msk [tilespmem:v24+s7+$0x0], $0xffff  }
0x31e: {  	v25 =	vld.idx.msk [tilespmem:v25+s7+$0x0], $0xffff  }
0x31f: {  	v28 =	vld.idx.msk [tilespmem:v28+s7+$0x0], $0xffff  }
0x320: {  	v51 =	vld.idx.msk [tilespmem:v40+s7+$0x0], $0xffff  }
0x321: {  	v29 =	vld.idx.msk [tilespmem:v29+s7+$0x0], $0xffff  }
0x322: {  	v30 =	vld.idx.msk [tilespmem:v30+s7+$0x0], $0xffff  }
0x323: {  	v1 =	vadd.f32 v12, v1;
	v27 =	vmul.u32 $0x9, v27;
	v44 =	vmul.u32 $0x9, v44;
	v26 =	vld.idx.msk [tilespmem:v26+s7+$0x0], $0xffff  }
0x324: {  	v45 =	vmul.u32 $0x9, v45;
	v46 =	vmul.u32 $0x9, v46;
	v62 =	vmul.u32 $0x9, v47;
	v31 =	vld.idx.msk [tilespmem:v31+s7+$0x0], $0xffff  }
0x325: {  	v63 =	vmul.u32 $0x9, v48;
	v52 =	vmul.u32 $0x9, v43;
	v38 =	vld.idx.msk [tilespmem:v38+s7+$0x0], $0xffff;
	v22 =	vmul.u32 $0x3, v22  }
0x326: {  	v53 =	vmul.u32 $0x9, v41;
	v54 =	vmul.u32 $0x9, v42;
	v32 =	vld.idx.msk [tilespmem:v32+s7+$0x0], $0xffff;
	v23 =	vmul.u32 $0x3, v23  }
0x327: {  	v34 =	vld.idx.msk [tilespmem:v34+s7+$0x0], $0xffff;
	v33 =	vmul.u32 $0x3, v33;
	v25 =	vmul.u32 $0x3, v25;
	v22 =	vadd.s32 v27, v22  }
0x328: {  	v60 =	vld.idx.msk [tilespmem:v35+s7+$0x0], $0xffff;
	v29 =	vmul.u32 $0x3, v29;
	v23 =	vadd.s32 v52, v23;
	v22 =	vadd.s32 v24, v22  }
0x329: {  	v61 =	vld.idx.msk [tilespmem:v36+s7+$0x0], $0xffff;
	v30 =	vmul.u32 $0x3, v30;
	v55 =	vadd.s32 v54, v33;
	v23 =	vadd.s32 v50, v23  }
0x32a: {  	v27 =	vld.idx.msk [tilespmem:v57+s7+$0x0], $0xffff;
	v26 =	vmul.u32 $0x3, v26;
	v25 =	vadd.s32 v53, v25;
	v56 =	vadd.s32 v38, v55  }
0x32b: {  	v24 =	vld.idx.msk [tilespmem:v58+s7+$0x0], $0xffff;
	v31 =	vmul.u32 $0x3, v31;
	v29 =	vadd.s32 v46, v29;
	v25 =	vadd.s32 v51, v25  }
0x32c: {  	v37 =	vld.idx.msk [tilespmem:v37+s7+$0x0], $0xffff;
	v28 =	vmul.u32 $0x3, v28;
	v30 =	vadd.s32 v62, v30;
	v29 =	vadd.s32 v34, v29  }
0x32d: {  	v59 =	vadd.s32 v44, v26;
	v31 =	vadd.s32 v63, v31;
	v26 =	vadd.s32 v60, v30;
	v22 =	vld.idx.msk [tilespmem:v22+s17+$0x0], $0xffff  }
0x32e: {  	v49 =	vmul.u32 $0x9, v49;
	v48 =	vmul.u32 $0x3, v32;
	v31 =	vadd.s32 v61, v31;
	v62 =	vld.idx.msk [tilespmem:v23+s17+$0x0], $0xffff  }
0x32f: {  	v1 =	vadd.f32 v11, v1;
	v28 =	vadd.s32 v45, v28;
	v17 =	vadd.s32 v27, v59;
	v11 =	vld.idx.msk [tilespmem:v56+s17+$0x0], $0xffff  }
0x330: {  	v27 =	vadd.s32 v49, v48;
	v24 =	vadd.s32 v24, v28;
	v63 =	vld.idx.msk [tilespmem:v25+s17+$0x0], $0xffff  }
0x331: {  	v27 =	vadd.s32 v37, v27;
	v29 =	vld.idx.msk [tilespmem:v29+s17+$0x0], $0xffff  }
0x332: {  	v0 =	vadd.f32 v14, v0;
	v26 =	vld.idx.msk [tilespmem:v26+s17+$0x0], $0xffff  }
0x333: {  	v9 =	vadd.f32 v15, v9;
	v4 =	vadd.f32 v13, v4;
	v57 =	vld.idx.msk [tilespmem:v31+s17+$0x0], $0xffff  }
0x334: {  	v20 =	vadd.f32 v20, v6;
	v0 =	vadd.f32 v10, v0;
	v17 =	vld.idx.msk [tilespmem:v17+s17+$0x0], $0xffff  }
0x335: {  	v21 =	vadd.f32 v21, v7;
	v58 =	vadd.f32 v16, v2;
	v24 =	vld.idx.msk [tilespmem:v24+s17+$0x0], $0xffff  }
0x336: {  	v60 =	vadd.f32 v18, v3;
	v61 =	vadd.f32 v19, v5;
	v59 =	vld.idx.msk [tilespmem:v27+s17+$0x0], $0xffff  }
.Ltmp8:
0x337: {  	v2 =	vadd.f32 v22, v8;
	v8 =	vadd.f32 v62, v21;
	(pc) =	sbr.rel .LBB2_13-.Ltmp8, $4  }
0x338: {  	v0 =	vadd.f32 v11, v0;
	v1 =	vadd.f32 v63, v1  }
0x339: {  	v4 =	vadd.f32 v29, v4;
	v5 =	vadd.f32 v26, v60  }
0x33a: {  	v6 =	vadd.f32 v57, v61;
	v9 =	vadd.f32 v17, v9  }
0x33b: {  	s4 =	rddreg [dreg:$0xe];
	v3 =	vadd.f32 v24, v58;
	v7 =	vadd.f32 v59, v20  }
.LBB2_14:
0x33c: {  	_ =	sfence.sel $0x180000  }
0x33d: {  	[bflag:$0x0] =	sbarrier.arrive $0xFFFF  }
0x33e: {  	_ =	strace $0x90000047  }
0x33f: {  	s0 =	stileid.u32;
	[bflag:$0x2] =	sbarrier.arrive $0xFFFF  }
0x340: {  	p0 =	sne.s32 s0, $0x0;
	s0 =	rddreg [dreg:$0x5]  }
0x341: {  	s0 =	sadd.s32 @!p0 $0x100000, s0  }
0x342: {  	[sflag:s0] =	ssyncadd.tile.s32 @!p0 $0x1;
	_ =	shalt  }
.Lfunc_end2:
_tile_overlayer_lowered:
.L_overlay_start_2:
0x343: {  	(tag) =	ssettag $0x2  }
0x344: {  	s0 =	rddreg [dreg:$0x0];
	s2 =	stileid.u32  }
0x345: {  	s1 =	rddreg [dreg:$0x1];
	p0 =	sne.s32 s2, $0x0  }
0x346: {  	s3 =	rddreg [dreg:$0x2];
	[bflag:$0x3] =	sbarrier.arrive $0xFFFF;
	s2 =	simm.s32 @!p0 $0x1C03  }
0x347: {  	[timem:s3], [sflag:s2] =	dma.local @!p0 [hbm:s0], s1  }
0x348: {  	s0 =	simm.s32 @!p0 $0x3  }
0x349: {  	_ =	swait.ge @!p0 [sflag:s0], s1  }
0x34a: {  	s1 =	ssub.s32 @!p0 $0x0, s1;
	[sflag:s0] =	ssyncset.done @!p0 $0x0  }
0x34b: {  	[sflag:s0] =	ssyncadd.s32 @!p0 s1  }
0x34c: {  	[bflag:$0x3] =	sbarrier.arrive $0xFFFF  }
0x34d: {  	_ =	shalt  }

</sc_bundles>
